<compile_context>
chip_gen: v7x
topology: tpu7x:2x2x1
jax: 0.10.2.dev20260603
libtpu: 0.0.44.dev20260713+nightly
codegen_flags: <defaults>
</compile_context>

<pallas_src>
import functools

import jax
import jax.numpy as jnp
from jax import lax
from jax.experimental import pallas as pl
from jax.experimental.pallas import tpu as pltpu
from jax.experimental.pallas import tpu_sc as plsc

N_TOK = 4096
SEQ = 200
DIM = 64
NUM_WORKERS = 32
NBUF = 4
CHUNK = 2
ROWS_PER_W = N_TOK // NUM_WORKERS
CH_PER_W = ROWS_PER_W // CHUNK


@functools.cache
def _gather_call():
    mesh = plsc.VectorSubcoreMesh(core_axis_name="c", subcore_axis_name="s")
    scratch = (
        [pltpu.VMEM((CHUNK * SEQ,), jnp.int32) for _ in range(NBUF)]
        + [pltpu.VMEM((CHUNK * SEQ, DIM), jnp.float32) for _ in range(NBUF)]
        + [pltpu.SemaphoreType.DMA for _ in range(3 * NBUF)]
    )

    @functools.partial(
        pl.kernel,
        mesh=mesh,
        out_type=jax.ShapeDtypeStruct((N_TOK, SEQ, 2 * DIM), jnp.float32),
        scratch_types=scratch,
        compiler_params=pltpu.CompilerParams(use_tc_tiling_on_sc=False),
    )
    def k(idx_hbm, table_hbm, out_hbm, *bufs):
        idx_v = bufs[:NBUF]
        rows_v = bufs[NBUF:2 * NBUF]
        sem_i = bufs[2 * NBUF:3 * NBUF]
        sem_o = bufs[3 * NBUF:4 * NBUF]
        sem_g = bufs[4 * NBUF:5 * NBUF]

        wid = lax.axis_index("s") * 2 + lax.axis_index("c")
        n0 = wid * ROWS_PER_W

        def icopy(chunk, b):
            pltpu.async_copy(
                idx_hbm.at[pl.ds((n0 + chunk * CHUNK) * SEQ, CHUNK * SEQ)],
                idx_v[b], sem_i[b])

        def store(chunk, b, wait):
            for c in range(CHUNK):
                cp = pltpu.make_async_copy(
                    rows_v[b].at[pl.ds(c * SEQ, SEQ)],
                    out_hbm.at[n0 + chunk * CHUNK + c, :, pl.ds(0, DIM)],
                    sem_o[b])
                if wait:
                    cp.wait()
                else:
                    cp.start()

        for b in range(NBUF):
            icopy(b, b)

        def gwait(b):
            pltpu.make_async_copy(
                table_hbm.at[idx_v[b]], rows_v[b], sem_g[b]).wait()

        def outer(g, carry):
            for b in range(NBUF):
                i = g * NBUF + b
                bp = (b - 1) % NBUF
                pltpu.make_async_copy(
                    idx_hbm.at[pl.ds((n0 + i * CHUNK) * SEQ, CHUNK * SEQ)],
                    idx_v[b], sem_i[b]).wait()

                @pl.when(g > 0)
                def _():
                    store(i - NBUF, b, wait=True)

                pltpu.async_copy(table_hbm.at[idx_v[b]], rows_v[b], sem_g[b])

                @pl.when(i > 0)
                def _():
                    gwait(bp)

                    @pl.when(i - 1 + NBUF < CH_PER_W)
                    def _():
                        icopy(i - 1 + NBUF, bp)

                    store(i - 1, bp, wait=False)
            return carry

        lax.fori_loop(0, CH_PER_W // NBUF, outer, 0)

        bl = (CH_PER_W - 1) % NBUF
        gwait(bl)
        store(CH_PER_W - 1, bl, wait=False)
        for b in range(NBUF):
            store(CH_PER_W - NBUF + b, b, wait=True)

    return k


def kernel(x, table):
    idx = x.reshape(N_TOK * SEQ).astype(jnp.int32)
    padded = _gather_call()(idx, table)
    return padded[:, :, :DIM]

# --- scband reference (transcript-rebuilt; emitter-appended) ---
"""Pipeline reference for scband-bio-gpt-scaled-word-embedding-18468359373072 (READ-ONLY COPY).

The authoritative reference and input builder live on the scoring server;
editing this copy changes nothing except your own understanding.
"""

import jax, jax.numpy as jnp
import numpy as np

VOCAB = 1000000
DIM = 64

def setup_inputs(seed: int = 0) -> dict:
    key = jax.random.key(seed)
    k1, k2 = jax.random.split(key)
    x = jax.random.randint(k1, (4096, 200), 0, VOCAB, dtype=jnp.int64 if jax.config.jax_enable_x64 else jnp.int32)
    table = jax.random.normal(k2, (VOCAB, DIM), dtype=jnp.float32) * 0.02
    return {"x": x, "table": table}

def reference(x, table):
    # Faithful translation of nn.Embedding forward: row gather from the table.
    return jnp.take(table, x, axis=0)

if __name__ == "__main__":
    import jax
    _d = setup_inputs()
    print(jax.jit(kernel)(*tuple(_d.values())))

</pallas_src>

<mosaic_0001>
#map = affine_map<(d0, d1) -> (0)>
#map1 = affine_map<(d0, d1) -> (0, 0)>
#map2 = affine_map<(d0, d1) -> (0, 0, 0)>
module attributes {stable_mosaic.version = 14 : i64} {
  func.func @k(%arg0: i32, %arg1: i32, %arg2: memref<819200xi32, #tpu.memory_space<hbm>>, %arg3: memref<1000000x64xf32, #tpu.memory_space<hbm>>, %arg4: memref<4096x200x128xf32, #tpu.memory_space<hbm>>, %arg5: memref<400xi32, #tpu.memory_space<vmem>>, %arg6: memref<400xi32, #tpu.memory_space<vmem>>, %arg7: memref<400xi32, #tpu.memory_space<vmem>>, %arg8: memref<400xi32, #tpu.memory_space<vmem>>, %arg9: memref<400x64xf32, #tpu.memory_space<vmem>>, %arg10: memref<400x64xf32, #tpu.memory_space<vmem>>, %arg11: memref<400x64xf32, #tpu.memory_space<vmem>>, %arg12: memref<400x64xf32, #tpu.memory_space<vmem>>, %arg13: memref<!tpu.dma_semaphore, #tpu.memory_space<semaphore_mem>>, %arg14: memref<!tpu.dma_semaphore, #tpu.memory_space<semaphore_mem>>, %arg15: memref<!tpu.dma_semaphore, #tpu.memory_space<semaphore_mem>>, %arg16: memref<!tpu.dma_semaphore, #tpu.memory_space<semaphore_mem>>, %arg17: memref<!tpu.dma_semaphore, #tpu.memory_space<semaphore_mem>>, %arg18: memref<!tpu.dma_semaphore, #tpu.memory_space<semaphore_mem>>, %arg19: memref<!tpu.dma_semaphore, #tpu.memory_space<semaphore_mem>>, %arg20: memref<!tpu.dma_semaphore, #tpu.memory_space<semaphore_mem>>, %arg21: memref<!tpu.dma_semaphore, #tpu.memory_space<semaphore_mem>>, %arg22: memref<!tpu.dma_semaphore, #tpu.memory_space<semaphore_mem>>, %arg23: memref<!tpu.dma_semaphore, #tpu.memory_space<semaphore_mem>>, %arg24: memref<!tpu.dma_semaphore, #tpu.memory_space<semaphore_mem>>) attributes {dimension_semantics = [#tpu.dimension_semantics<core_parallel>, #tpu.dimension_semantics<subcore_parallel>], iteration_bounds = array<i64: 2, 16>, scalar_prefetch = 0 : i64, scratch_operands = 20 : i64, tpu.core_type = #tpu.core_type<sc_vector_subcore>, window_params = [{transform_indices = #map}, {transform_indices = #map1}, {transform_indices = #map2}]} {
    %mul3A = arith.constant 2 : i32
    %mul3A_0 = arith.muli %arg1, %mul3A : i32
    %add3A = arith.addi %mul3A_0, %arg0 : i32
    %mul3A_1 = arith.constant 128 : i32
    %mul3A_2 = arith.muli %add3A, %mul3A_1 : i32
    %add3A_3 = arith.constant 0 : i32
    %add3A_4 = arith.addi %mul3A_2, %add3A_3 : i32
    %mul3A_5 = arith.constant 200 : i32
    %mul3A_6 = arith.muli %add3A_4, %mul3A_5 : i32
    %dma_start3A = tpu.memref_slice %arg2[%mul3A_6] : memref<819200xi32, #tpu.memory_space<hbm>> -> memref<400xi32, #tpu.memory_space<hbm>>
    %dma_start3A_7 = tpu.memref_slice %arg2[%mul3A_6] : memref<819200xi32, #tpu.memory_space<hbm>> -> memref<400xi32, #tpu.memory_space<hbm>>
    tpu.enqueue_dma source(%dma_start3A_7 : memref<400xi32, #tpu.memory_space<hbm>>) target(%arg5 : memref<400xi32, #tpu.memory_space<vmem>>) target_semaphore(%arg13 : memref<!tpu.dma_semaphore, #tpu.memory_space<semaphore_mem>>)
    %add3A_8 = arith.constant 2 : i32
    %add3A_9 = arith.addi %mul3A_2, %add3A_8 : i32
    %mul3A_10 = arith.constant 200 : i32
    %mul3A_11 = arith.muli %add3A_9, %mul3A_10 : i32
    %dma_start3A_12 = tpu.memref_slice %arg2[%mul3A_11] : memref<819200xi32, #tpu.memory_space<hbm>> -> memref<400xi32, #tpu.memory_space<hbm>>
    %dma_start3A_13 = tpu.memref_slice %arg2[%mul3A_11] : memref<819200xi32, #tpu.memory_space<hbm>> -> memref<400xi32, #tpu.memory_space<hbm>>
    tpu.enqueue_dma source(%dma_start3A_13 : memref<400xi32, #tpu.memory_space<hbm>>) target(%arg6 : memref<400xi32, #tpu.memory_space<vmem>>) target_semaphore(%arg14 : memref<!tpu.dma_semaphore, #tpu.memory_space<semaphore_mem>>)
    %add3A_14 = arith.constant 4 : i32
    %add3A_15 = arith.addi %mul3A_2, %add3A_14 : i32
    %mul3A_16 = arith.constant 200 : i32
    %mul3A_17 = arith.muli %add3A_15, %mul3A_16 : i32
    %dma_start3A_18 = tpu.memref_slice %arg2[%mul3A_17] : memref<819200xi32, #tpu.memory_space<hbm>> -> memref<400xi32, #tpu.memory_space<hbm>>
    %dma_start3A_19 = tpu.memref_slice %arg2[%mul3A_17] : memref<819200xi32, #tpu.memory_space<hbm>> -> memref<400xi32, #tpu.memory_space<hbm>>
    tpu.enqueue_dma source(%dma_start3A_19 : memref<400xi32, #tpu.memory_space<hbm>>) target(%arg7 : memref<400xi32, #tpu.memory_space<vmem>>) target_semaphore(%arg15 : memref<!tpu.dma_semaphore, #tpu.memory_space<semaphore_mem>>)
    %add3A_20 = arith.constant 6 : i32
    %add3A_21 = arith.addi %mul3A_2, %add3A_20 : i32
    %mul3A_22 = arith.constant 200 : i32
    %mul3A_23 = arith.muli %add3A_21, %mul3A_22 : i32
    %dma_start3A_24 = tpu.memref_slice %arg2[%mul3A_23] : memref<819200xi32, #tpu.memory_space<hbm>> -> memref<400xi32, #tpu.memory_space<hbm>>
    %dma_start3A_25 = tpu.memref_slice %arg2[%mul3A_23] : memref<819200xi32, #tpu.memory_space<hbm>> -> memref<400xi32, #tpu.memory_space<hbm>>
    tpu.enqueue_dma source(%dma_start3A_25 : memref<400xi32, #tpu.memory_space<hbm>>) target(%arg8 : memref<400xi32, #tpu.memory_space<vmem>>) target_semaphore(%arg16 : memref<!tpu.dma_semaphore, #tpu.memory_space<semaphore_mem>>)
    %scan3A = arith.constant 0 : i32
    %scan3A_26 = arith.constant 0 : i32
    %scan3A_27 = arith.constant 16 : i32
    %scan3A_28 = arith.addi %scan3A_26, %scan3A_27 : i32
    %scan3A_29 = arith.constant 1 : i32
    scf.for %scan3A_213 = %scan3A_26 to %scan3A_28 step %scan3A_29  : i32 {
      %mul3A_214 = arith.constant 4 : i32
      %mul3A_215 = arith.muli %scan3A_213, %mul3A_214 : i32
      %add3A_216 = arith.constant 0 : i32
      %add3A_217 = arith.addi %mul3A_215, %add3A_216 : i32
      %mul3A_218 = arith.constant 2 : i32
      %mul3A_219 = arith.muli %add3A_217, %mul3A_218 : i32
      %add3A_220 = arith.addi %mul3A_2, %mul3A_219 : i32
      %mul3A_221 = arith.constant 200 : i32
      %mul3A_222 = arith.muli %add3A_220, %mul3A_221 : i32
      %dma_wait3A_223 = tpu.memref_slice %arg2[%mul3A_222] : memref<819200xi32, #tpu.memory_space<hbm>> -> memref<400xi32, #tpu.memory_space<hbm>>
      %dma_wait3A_224 = tpu.memref_slice %arg2[%mul3A_222] : memref<819200xi32, #tpu.memory_space<hbm>> -> memref<400xi32, #tpu.memory_space<hbm>>
      tpu.wait_dma2 semaphore(%arg13 : memref<!tpu.dma_semaphore, #tpu.memory_space<semaphore_mem>>) src(%dma_wait3A_224 : memref<400xi32, #tpu.memory_space<hbm>>) dst(%arg5 : memref<400xi32, #tpu.memory_space<vmem>>)
      %gt3A = arith.constant 0 : i32
      %gt3A_225 = arith.cmpi sgt, %scan3A_213, %gt3A : i32
      %convert_element_type3A = arith.extui %gt3A_225 : i1 to i32
      %cond3A = arith.constant 0 : i32
      %cond3A_226 = arith.cmpi ne, %convert_element_type3A, %cond3A : i32
      scf.if %cond3A_226 {
        %sub3A = arith.constant 4 : i32
        %sub3A_307 = arith.subi %add3A_217, %sub3A : i32
        %mul3A_308 = arith.constant 2 : i32
        %mul3A_309 = arith.muli %sub3A_307, %mul3A_308 : i32
        %add3A_310 = arith.addi %mul3A_2, %mul3A_309 : i32
        %add3A_311 = arith.constant 0 : i32
        %add3A_312 = arith.addi %add3A_310, %add3A_311 : i32
        %dma_wait3A_313 = arith.constant 0 : i32
        %dma_wait3A_314 = arith.constant 0 : i32
        %dma_wait3A_315 = tpu.memref_slice %arg9[%dma_wait3A_313, %dma_wait3A_314] : memref<400x64xf32, #tpu.memory_space<vmem>> -> memref<200x64xf32, #tpu.memory_space<vmem>>
        %dma_wait3A_316 = arith.constant 0 : i32
        %dma_wait3A_317 = arith.constant 0 : i32
        %dma_wait3A_318 = tpu.memref_slice %arg4[%add3A_312, %dma_wait3A_316, %dma_wait3A_317] : memref<4096x200x128xf32, #tpu.memory_space<hbm>> -> memref<1x200x64xf32, #tpu.memory_space<hbm>>
        %dma_wait3A_319 = tpu.memref_squeeze %dma_wait3A_318 : memref<1x200x64xf32, #tpu.memory_space<hbm>> -> memref<200x64xf32, #tpu.memory_space<hbm>>
        %dma_wait3A_320 = arith.constant 0 : i32
        %dma_wait3A_321 = arith.constant 0 : i32
        %dma_wait3A_322 = tpu.memref_slice %arg4[%add3A_312, %dma_wait3A_320, %dma_wait3A_321] : memref<4096x200x128xf32, #tpu.memory_space<hbm>> -> memref<1x200x64xf32, #tpu.memory_space<hbm>>
        %dma_wait3A_323 = tpu.memref_squeeze %dma_wait3A_322 : memref<1x200x64xf32, #tpu.memory_space<hbm>> -> memref<200x64xf32, #tpu.memory_space<hbm>>
        %dma_wait3A_324 = arith.constant 0 : i32
        %dma_wait3A_325 = arith.constant 0 : i32
        %dma_wait3A_326 = tpu.memref_slice %arg9[%dma_wait3A_324, %dma_wait3A_325] : memref<400x64xf32, #tpu.memory_space<vmem>> -> memref<200x64xf32, #tpu.memory_space<vmem>>
        tpu.wait_dma2 semaphore(%arg17 : memref<!tpu.dma_semaphore, #tpu.memory_space<semaphore_mem>>) src(%dma_wait3A_326 : memref<200x64xf32, #tpu.memory_space<vmem>>) dst(%dma_wait3A_323 : memref<200x64xf32, #tpu.memory_space<hbm>>)
        %mul3A_327 = arith.constant 2 : i32
        %mul3A_328 = arith.muli %sub3A_307, %mul3A_327 : i32
        %add3A_329 = arith.addi %mul3A_2, %mul3A_328 : i32
        %add3A_330 = arith.constant 1 : i32
        %add3A_331 = arith.addi %add3A_329, %add3A_330 : i32
        %dma_wait3A_332 = arith.constant 200 : i32
        %dma_wait3A_333 = arith.constant 0 : i32
        %dma_wait3A_334 = tpu.memref_slice %arg9[%dma_wait3A_332, %dma_wait3A_333] : memref<400x64xf32, #tpu.memory_space<vmem>> -> memref<200x64xf32, #tpu.memory_space<vmem>>
        %dma_wait3A_335 = arith.constant 0 : i32
        %dma_wait3A_336 = arith.constant 0 : i32
        %dma_wait3A_337 = tpu.memref_slice %arg4[%add3A_331, %dma_wait3A_335, %dma_wait3A_336] : memref<4096x200x128xf32, #tpu.memory_space<hbm>> -> memref<1x200x64xf32, #tpu.memory_space<hbm>>
        %dma_wait3A_338 = tpu.memref_squeeze %dma_wait3A_337 : memref<1x200x64xf32, #tpu.memory_space<hbm>> -> memref<200x64xf32, #tpu.memory_space<hbm>>
        %dma_wait3A_339 = arith.constant 0 : i32
        %dma_wait3A_340 = arith.constant 0 : i32
        %dma_wait3A_341 = tpu.memref_slice %arg4[%add3A_331, %dma_wait3A_339, %dma_wait3A_340] : memref<4096x200x128xf32, #tpu.memory_space<hbm>> -> memref<1x200x64xf32, #tpu.memory_space<hbm>>
        %dma_wait3A_342 = tpu.memref_squeeze %dma_wait3A_341 : memref<1x200x64xf32, #tpu.memory_space<hbm>> -> memref<200x64xf32, #tpu.memory_space<hbm>>
        %dma_wait3A_343 = arith.constant 200 : i32
        %dma_wait3A_344 = arith.constant 0 : i32
        %dma_wait3A_345 = tpu.memref_slice %arg9[%dma_wait3A_343, %dma_wait3A_344] : memref<400x64xf32, #tpu.memory_space<vmem>> -> memref<200x64xf32, #tpu.memory_space<vmem>>
        tpu.wait_dma2 semaphore(%arg17 : memref<!tpu.dma_semaphore, #tpu.memory_space<semaphore_mem>>) src(%dma_wait3A_345 : memref<200x64xf32, #tpu.memory_space<vmem>>) dst(%dma_wait3A_342 : memref<200x64xf32, #tpu.memory_space<hbm>>)
      } else {
      }
      %dma_start3A_227 = arith.constant 0 : i32
      %dma_start3A_228 = arith.constant 0 : i32
      %dma_start3A_229 = tpu.memref_slice %arg3[%dma_start3A_227, %dma_start3A_228] : memref<1000000x64xf32, #tpu.memory_space<hbm>> -> memref<1000000x64xf32, #tpu.memory_space<hbm>>
      tpu.enqueue_indirect_dma source(%dma_start3A_229 : memref<1000000x64xf32, #tpu.memory_space<hbm>>) target(%arg9 : memref<400x64xf32, #tpu.memory_space<vmem>>) offsets(%arg5 : memref<400xi32, #tpu.memory_space<vmem>>) semaphore(%arg21 : memref<!tpu.dma_semaphore, #tpu.memory_space<semaphore_mem>>)
      %gt3A_230 = arith.constant 0 : i32
      %gt3A_231 = arith.cmpi sgt, %add3A_217, %gt3A_230 : i32
      %convert_element_type3A_232 = arith.extui %gt3A_231 : i1 to i32
      %cond3A_233 = arith.constant 0 : i32
      %cond3A_234 = arith.cmpi ne, %convert_element_type3A_232, %cond3A_233 : i32
      scf.if %cond3A_234 {
        %dma_wait3A_307 = arith.constant 0 : i32
        %dma_wait3A_308 = arith.constant 0 : i32
        %dma_wait3A_309 = tpu.memref_slice %arg3[%dma_wait3A_307, %dma_wait3A_308] : memref<1000000x64xf32, #tpu.memory_space<hbm>> -> memref<1000000x64xf32, #tpu.memory_space<hbm>>
        tpu.wait_indirect_dma semaphore(%arg24 : memref<!tpu.dma_semaphore, #tpu.memory_space<semaphore_mem>>) src(%dma_wait3A_309 : memref<1000000x64xf32, #tpu.memory_space<hbm>>) dst(%arg12 : memref<400x64xf32, #tpu.memory_space<vmem>>)
        %sub3A = arith.constant 1 : i32
        %sub3A_310 = arith.subi %add3A_217, %sub3A : i32
        %add3A_311 = arith.constant 4 : i32
        %add3A_312 = arith.addi %sub3A_310, %add3A_311 : i32
        %lt3A = arith.constant 64 : i32
        %lt3A_313 = arith.cmpi slt, %add3A_312, %lt3A : i32
        %convert_element_type3A_314 = arith.extui %lt3A_313 : i1 to i32
        %cond3A_315 = arith.constant 0 : i32
        %cond3A_316 = arith.cmpi ne, %convert_element_type3A_314, %cond3A_315 : i32
        scf.if %cond3A_316 {
          %sub3A_357 = arith.constant 1 : i32
          %sub3A_358 = arith.subi %add3A_217, %sub3A_357 : i32
          %add3A_359 = arith.constant 4 : i32
          %add3A_360 = arith.addi %sub3A_358, %add3A_359 : i32
          %mul3A_361 = arith.constant 2 : i32
          %mul3A_362 = arith.muli %add3A_360, %mul3A_361 : i32
          %add3A_363 = arith.addi %mul3A_2, %mul3A_362 : i32
          %mul3A_364 = arith.constant 200 : i32
          %mul3A_365 = arith.muli %add3A_363, %mul3A_364 : i32
          %dma_start3A_366 = tpu.memref_slice %arg2[%mul3A_365] : memref<819200xi32, #tpu.memory_space<hbm>> -> memref<400xi32, #tpu.memory_space<hbm>>
          %dma_start3A_367 = tpu.memref_slice %arg2[%mul3A_365] : memref<819200xi32, #tpu.memory_space<hbm>> -> memref<400xi32, #tpu.memory_space<hbm>>
          tpu.enqueue_dma source(%dma_start3A_367 : memref<400xi32, #tpu.memory_space<hbm>>) target(%arg8 : memref<400xi32, #tpu.memory_space<vmem>>) target_semaphore(%arg16 : memref<!tpu.dma_semaphore, #tpu.memory_space<semaphore_mem>>)
        } else {
        }
        %sub3A_317 = arith.constant 1 : i32
        %sub3A_318 = arith.subi %add3A_217, %sub3A_317 : i32
        %mul3A_319 = arith.constant 2 : i32
        %mul3A_320 = arith.muli %sub3A_318, %mul3A_319 : i32
        %add3A_321 = arith.addi %mul3A_2, %mul3A_320 : i32
        %add3A_322 = arith.constant 0 : i32
        %add3A_323 = arith.addi %add3A_321, %add3A_322 : i32
        %dma_start3A_324 = arith.constant 0 : i32
        %dma_start3A_325 = arith.constant 0 : i32
        %dma_start3A_326 = tpu.memref_slice %arg12[%dma_start3A_324, %dma_start3A_325] : memref<400x64xf32, #tpu.memory_space<vmem>> -> memref<200x64xf32, #tpu.memory_space<vmem>>
        %dma_start3A_327 = arith.constant 0 : i32
        %dma_start3A_328 = arith.constant 0 : i32
        %dma_start3A_329 = tpu.memref_slice %arg4[%add3A_323, %dma_start3A_327, %dma_start3A_328] : memref<4096x200x128xf32, #tpu.memory_space<hbm>> -> memref<1x200x64xf32, #tpu.memory_space<hbm>>
        %dma_start3A_330 = tpu.memref_squeeze %dma_start3A_329 : memref<1x200x64xf32, #tpu.memory_space<hbm>> -> memref<200x64xf32, #tpu.memory_space<hbm>>
        %dma_start3A_331 = arith.constant 0 : i32
        %dma_start3A_332 = arith.constant 0 : i32
        %dma_start3A_333 = tpu.memref_slice %arg4[%add3A_323, %dma_start3A_331, %dma_start3A_332] : memref<4096x200x128xf32, #tpu.memory_space<hbm>> -> memref<1x200x64xf32, #tpu.memory_space<hbm>>
        %dma_start3A_334 = tpu.memref_squeeze %dma_start3A_333 : memref<1x200x64xf32, #tpu.memory_space<hbm>> -> memref<200x64xf32, #tpu.memory_space<hbm>>
        %dma_start3A_335 = arith.constant 0 : i32
        %dma_start3A_336 = arith.constant 0 : i32
        %dma_start3A_337 = tpu.memref_slice %arg12[%dma_start3A_335, %dma_start3A_336] : memref<400x64xf32, #tpu.memory_space<vmem>> -> memref<200x64xf32, #tpu.memory_space<vmem>>
        tpu.enqueue_dma source(%dma_start3A_337 : memref<200x64xf32, #tpu.memory_space<vmem>>) target(%dma_start3A_334 : memref<200x64xf32, #tpu.memory_space<hbm>>) target_semaphore(%arg20 : memref<!tpu.dma_semaphore, #tpu.memory_space<semaphore_mem>>)
        %mul3A_338 = arith.constant 2 : i32
        %mul3A_339 = arith.muli %sub3A_318, %mul3A_338 : i32
        %add3A_340 = arith.addi %mul3A_2, %mul3A_339 : i32
        %add3A_341 = arith.constant 1 : i32
        %add3A_342 = arith.addi %add3A_340, %add3A_341 : i32
        %dma_start3A_343 = arith.constant 200 : i32
        %dma_start3A_344 = arith.constant 0 : i32
        %dma_start3A_345 = tpu.memref_slice %arg12[%dma_start3A_343, %dma_start3A_344] : memref<400x64xf32, #tpu.memory_space<vmem>> -> memref<200x64xf32, #tpu.memory_space<vmem>>
        %dma_start3A_346 = arith.constant 0 : i32
        %dma_start3A_347 = arith.constant 0 : i32
        %dma_start3A_348 = tpu.memref_slice %arg4[%add3A_342, %dma_start3A_346, %dma_start3A_347] : memref<4096x200x128xf32, #tpu.memory_space<hbm>> -> memref<1x200x64xf32, #tpu.memory_space<hbm>>
        %dma_start3A_349 = tpu.memref_squeeze %dma_start3A_348 : memref<1x200x64xf32, #tpu.memory_space<hbm>> -> memref<200x64xf32, #tpu.memory_space<hbm>>
        %dma_start3A_350 = arith.constant 0 : i32
        %dma_start3A_351 = arith.constant 0 : i32
        %dma_start3A_352 = tpu.memref_slice %arg4[%add3A_342, %dma_start3A_350, %dma_start3A_351] : memref<4096x200x128xf32, #tpu.memory_space<hbm>> -> memref<1x200x64xf32, #tpu.memory_space<hbm>>
        %dma_start3A_353 = tpu.memref_squeeze %dma_start3A_352 : memref<1x200x64xf32, #tpu.memory_space<hbm>> -> memref<200x64xf32, #tpu.memory_space<hbm>>
        %dma_start3A_354 = arith.constant 200 : i32
        %dma_start3A_355 = arith.constant 0 : i32
        %dma_start3A_356 = tpu.memref_slice %arg12[%dma_start3A_354, %dma_start3A_355] : memref<400x64xf32, #tpu.memory_space<vmem>> -> memref<200x64xf32, #tpu.memory_space<vmem>>
        tpu.enqueue_dma source(%dma_start3A_356 : memref<200x64xf32, #tpu.memory_space<vmem>>) target(%dma_start3A_353 : memref<200x64xf32, #tpu.memory_space<hbm>>) target_semaphore(%arg20 : memref<!tpu.dma_semaphore, #tpu.memory_space<semaphore_mem>>)
      } else {
      }
      %mul3A_235 = arith.constant 4 : i32
      %mul3A_236 = arith.muli %scan3A_213, %mul3A_235 : i32
      %add3A_237 = arith.constant 1 : i32
      %add3A_238 = arith.addi %mul3A_236, %add3A_237 : i32
      %mul3A_239 = arith.constant 2 : i32
      %mul3A_240 = arith.muli %add3A_238, %mul3A_239 : i32
      %add3A_241 = arith.addi %mul3A_2, %mul3A_240 : i32
      %mul3A_242 = arith.constant 200 : i32
      %mul3A_243 = arith.muli %add3A_241, %mul3A_242 : i32
      %dma_wait3A_244 = tpu.memref_slice %arg2[%mul3A_243] : memref<819200xi32, #tpu.memory_space<hbm>> -> memref<400xi32, #tpu.memory_space<hbm>>
      %dma_wait3A_245 = tpu.memref_slice %arg2[%mul3A_243] : memref<819200xi32, #tpu.memory_space<hbm>> -> memref<400xi32, #tpu.memory_space<hbm>>
      tpu.wait_dma2 semaphore(%arg14 : memref<!tpu.dma_semaphore, #tpu.memory_space<semaphore_mem>>) src(%dma_wait3A_245 : memref<400xi32, #tpu.memory_space<hbm>>) dst(%arg6 : memref<400xi32, #tpu.memory_space<vmem>>)
      %gt3A_246 = arith.constant 0 : i32
      %gt3A_247 = arith.cmpi sgt, %scan3A_213, %gt3A_246 : i32
      %convert_element_type3A_248 = arith.extui %gt3A_247 : i1 to i32
      %cond3A_249 = arith.constant 0 : i32
      %cond3A_250 = arith.cmpi ne, %convert_element_type3A_248, %cond3A_249 : i32
      scf.if %cond3A_250 {
        %sub3A = arith.constant 4 : i32
        %sub3A_307 = arith.subi %add3A_238, %sub3A : i32
        %mul3A_308 = arith.constant 2 : i32
        %mul3A_309 = arith.muli %sub3A_307, %mul3A_308 : i32
        %add3A_310 = arith.addi %mul3A_2, %mul3A_309 : i32
        %add3A_311 = arith.constant 0 : i32
        %add3A_312 = arith.addi %add3A_310, %add3A_311 : i32
        %dma_wait3A_313 = arith.constant 0 : i32
        %dma_wait3A_314 = arith.constant 0 : i32
        %dma_wait3A_315 = tpu.memref_slice %arg10[%dma_wait3A_313, %dma_wait3A_314] : memref<400x64xf32, #tpu.memory_space<vmem>> -> memref<200x64xf32, #tpu.memory_space<vmem>>
        %dma_wait3A_316 = arith.constant 0 : i32
        %dma_wait3A_317 = arith.constant 0 : i32
        %dma_wait3A_318 = tpu.memref_slice %arg4[%add3A_312, %dma_wait3A_316, %dma_wait3A_317] : memref<4096x200x128xf32, #tpu.memory_space<hbm>> -> memref<1x200x64xf32, #tpu.memory_space<hbm>>
        %dma_wait3A_319 = tpu.memref_squeeze %dma_wait3A_318 : memref<1x200x64xf32, #tpu.memory_space<hbm>> -> memref<200x64xf32, #tpu.memory_space<hbm>>
        %dma_wait3A_320 = arith.constant 0 : i32
        %dma_wait3A_321 = arith.constant 0 : i32
        %dma_wait3A_322 = tpu.memref_slice %arg4[%add3A_312, %dma_wait3A_320, %dma_wait3A_321] : memref<4096x200x128xf32, #tpu.memory_space<hbm>> -> memref<1x200x64xf32, #tpu.memory_space<hbm>>
        %dma_wait3A_323 = tpu.memref_squeeze %dma_wait3A_322 : memref<1x200x64xf32, #tpu.memory_space<hbm>> -> memref<200x64xf32, #tpu.memory_space<hbm>>
        %dma_wait3A_324 = arith.constant 0 : i32
        %dma_wait3A_325 = arith.constant 0 : i32
        %dma_wait3A_326 = tpu.memref_slice %arg10[%dma_wait3A_324, %dma_wait3A_325] : memref<400x64xf32, #tpu.memory_space<vmem>> -> memref<200x64xf32, #tpu.memory_space<vmem>>
        tpu.wait_dma2 semaphore(%arg18 : memref<!tpu.dma_semaphore, #tpu.memory_space<semaphore_mem>>) src(%dma_wait3A_326 : memref<200x64xf32, #tpu.memory_space<vmem>>) dst(%dma_wait3A_323 : memref<200x64xf32, #tpu.memory_space<hbm>>)
        %mul3A_327 = arith.constant 2 : i32
        %mul3A_328 = arith.muli %sub3A_307, %mul3A_327 : i32
        %add3A_329 = arith.addi %mul3A_2, %mul3A_328 : i32
        %add3A_330 = arith.constant 1 : i32
        %add3A_331 = arith.addi %add3A_329, %add3A_330 : i32
        %dma_wait3A_332 = arith.constant 200 : i32
        %dma_wait3A_333 = arith.constant 0 : i32
        %dma_wait3A_334 = tpu.memref_slice %arg10[%dma_wait3A_332, %dma_wait3A_333] : memref<400x64xf32, #tpu.memory_space<vmem>> -> memref<200x64xf32, #tpu.memory_space<vmem>>
        %dma_wait3A_335 = arith.constant 0 : i32
        %dma_wait3A_336 = arith.constant 0 : i32
        %dma_wait3A_337 = tpu.memref_slice %arg4[%add3A_331, %dma_wait3A_335, %dma_wait3A_336] : memref<4096x200x128xf32, #tpu.memory_space<hbm>> -> memref<1x200x64xf32, #tpu.memory_space<hbm>>
        %dma_wait3A_338 = tpu.memref_squeeze %dma_wait3A_337 : memref<1x200x64xf32, #tpu.memory_space<hbm>> -> memref<200x64xf32, #tpu.memory_space<hbm>>
        %dma_wait3A_339 = arith.constant 0 : i32
        %dma_wait3A_340 = arith.constant 0 : i32
        %dma_wait3A_341 = tpu.memref_slice %arg4[%add3A_331, %dma_wait3A_339, %dma_wait3A_340] : memref<4096x200x128xf32, #tpu.memory_space<hbm>> -> memref<1x200x64xf32, #tpu.memory_space<hbm>>
        %dma_wait3A_342 = tpu.memref_squeeze %dma_wait3A_341 : memref<1x200x64xf32, #tpu.memory_space<hbm>> -> memref<200x64xf32, #tpu.memory_space<hbm>>
        %dma_wait3A_343 = arith.constant 200 : i32
        %dma_wait3A_344 = arith.constant 0 : i32
        %dma_wait3A_345 = tpu.memref_slice %arg10[%dma_wait3A_343, %dma_wait3A_344] : memref<400x64xf32, #tpu.memory_space<vmem>> -> memref<200x64xf32, #tpu.memory_space<vmem>>
        tpu.wait_dma2 semaphore(%arg18 : memref<!tpu.dma_semaphore, #tpu.memory_space<semaphore_mem>>) src(%dma_wait3A_345 : memref<200x64xf32, #tpu.memory_space<vmem>>) dst(%dma_wait3A_342 : memref<200x64xf32, #tpu.memory_space<hbm>>)
      } else {
      }
      %dma_start3A_251 = arith.constant 0 : i32
      %dma_start3A_252 = arith.constant 0 : i32
      %dma_start3A_253 = tpu.memref_slice %arg3[%dma_start3A_251, %dma_start3A_252] : memref<1000000x64xf32, #tpu.memory_space<hbm>> -> memref<1000000x64xf32, #tpu.memory_space<hbm>>
      tpu.enqueue_indirect_dma source(%dma_start3A_253 : memref<1000000x64xf32, #tpu.memory_space<hbm>>) target(%arg10 : memref<400x64xf32, #tpu.memory_space<vmem>>) offsets(%arg6 : memref<400xi32, #tpu.memory_space<vmem>>) semaphore(%arg22 : memref<!tpu.dma_semaphore, #tpu.memory_space<semaphore_mem>>)
      %gt3A_254 = arith.constant 0 : i32
      %gt3A_255 = arith.cmpi sgt, %add3A_238, %gt3A_254 : i32
      %convert_element_type3A_256 = arith.extui %gt3A_255 : i1 to i32
      %cond3A_257 = arith.constant 0 : i32
      %cond3A_258 = arith.cmpi ne, %convert_element_type3A_256, %cond3A_257 : i32
      scf.if %cond3A_258 {
        %dma_wait3A_307 = arith.constant 0 : i32
        %dma_wait3A_308 = arith.constant 0 : i32
        %dma_wait3A_309 = tpu.memref_slice %arg3[%dma_wait3A_307, %dma_wait3A_308] : memref<1000000x64xf32, #tpu.memory_space<hbm>> -> memref<1000000x64xf32, #tpu.memory_space<hbm>>
        tpu.wait_indirect_dma semaphore(%arg21 : memref<!tpu.dma_semaphore, #tpu.memory_space<semaphore_mem>>) src(%dma_wait3A_309 : memref<1000000x64xf32, #tpu.memory_space<hbm>>) dst(%arg9 : memref<400x64xf32, #tpu.memory_space<vmem>>)
        %sub3A = arith.constant 1 : i32
        %sub3A_310 = arith.subi %add3A_238, %sub3A : i32
        %add3A_311 = arith.constant 4 : i32
        %add3A_312 = arith.addi %sub3A_310, %add3A_311 : i32
        %lt3A = arith.constant 64 : i32
        %lt3A_313 = arith.cmpi slt, %add3A_312, %lt3A : i32
        %convert_element_type3A_314 = arith.extui %lt3A_313 : i1 to i32
        %cond3A_315 = arith.constant 0 : i32
        %cond3A_316 = arith.cmpi ne, %convert_element_type3A_314, %cond3A_315 : i32
        scf.if %cond3A_316 {
          %sub3A_357 = arith.constant 1 : i32
          %sub3A_358 = arith.subi %add3A_238, %sub3A_357 : i32
          %add3A_359 = arith.constant 4 : i32
          %add3A_360 = arith.addi %sub3A_358, %add3A_359 : i32
          %mul3A_361 = arith.constant 2 : i32
          %mul3A_362 = arith.muli %add3A_360, %mul3A_361 : i32
          %add3A_363 = arith.addi %mul3A_2, %mul3A_362 : i32
          %mul3A_364 = arith.constant 200 : i32
          %mul3A_365 = arith.muli %add3A_363, %mul3A_364 : i32
          %dma_start3A_366 = tpu.memref_slice %arg2[%mul3A_365] : memref<819200xi32, #tpu.memory_space<hbm>> -> memref<400xi32, #tpu.memory_space<hbm>>
          %dma_start3A_367 = tpu.memref_slice %arg2[%mul3A_365] : memref<819200xi32, #tpu.memory_space<hbm>> -> memref<400xi32, #tpu.memory_space<hbm>>
          tpu.enqueue_dma source(%dma_start3A_367 : memref<400xi32, #tpu.memory_space<hbm>>) target(%arg5 : memref<400xi32, #tpu.memory_space<vmem>>) target_semaphore(%arg13 : memref<!tpu.dma_semaphore, #tpu.memory_space<semaphore_mem>>)
        } else {
        }
        %sub3A_317 = arith.constant 1 : i32
        %sub3A_318 = arith.subi %add3A_238, %sub3A_317 : i32
        %mul3A_319 = arith.constant 2 : i32
        %mul3A_320 = arith.muli %sub3A_318, %mul3A_319 : i32
        %add3A_321 = arith.addi %mul3A_2, %mul3A_320 : i32
        %add3A_322 = arith.constant 0 : i32
        %add3A_323 = arith.addi %add3A_321, %add3A_322 : i32
        %dma_start3A_324 = arith.constant 0 : i32
        %dma_start3A_325 = arith.constant 0 : i32
        %dma_start3A_326 = tpu.memref_slice %arg9[%dma_start3A_324, %dma_start3A_325] : memref<400x64xf32, #tpu.memory_space<vmem>> -> memref<200x64xf32, #tpu.memory_space<vmem>>
        %dma_start3A_327 = arith.constant 0 : i32
        %dma_start3A_328 = arith.constant 0 : i32
        %dma_start3A_329 = tpu.memref_slice %arg4[%add3A_323, %dma_start3A_327, %dma_start3A_328] : memref<4096x200x128xf32, #tpu.memory_space<hbm>> -> memref<1x200x64xf32, #tpu.memory_space<hbm>>
        %dma_start3A_330 = tpu.memref_squeeze %dma_start3A_329 : memref<1x200x64xf32, #tpu.memory_space<hbm>> -> memref<200x64xf32, #tpu.memory_space<hbm>>
        %dma_start3A_331 = arith.constant 0 : i32
        %dma_start3A_332 = arith.constant 0 : i32
        %dma_start3A_333 = tpu.memref_slice %arg4[%add3A_323, %dma_start3A_331, %dma_start3A_332] : memref<4096x200x128xf32, #tpu.memory_space<hbm>> -> memref<1x200x64xf32, #tpu.memory_space<hbm>>
        %dma_start3A_334 = tpu.memref_squeeze %dma_start3A_333 : memref<1x200x64xf32, #tpu.memory_space<hbm>> -> memref<200x64xf32, #tpu.memory_space<hbm>>
        %dma_start3A_335 = arith.constant 0 : i32
        %dma_start3A_336 = arith.constant 0 : i32
        %dma_start3A_337 = tpu.memref_slice %arg9[%dma_start3A_335, %dma_start3A_336] : memref<400x64xf32, #tpu.memory_space<vmem>> -> memref<200x64xf32, #tpu.memory_space<vmem>>
        tpu.enqueue_dma source(%dma_start3A_337 : memref<200x64xf32, #tpu.memory_space<vmem>>) target(%dma_start3A_334 : memref<200x64xf32, #tpu.memory_space<hbm>>) target_semaphore(%arg17 : memref<!tpu.dma_semaphore, #tpu.memory_space<semaphore_mem>>)
        %mul3A_338 = arith.constant 2 : i32
        %mul3A_339 = arith.muli %sub3A_318, %mul3A_338 : i32
        %add3A_340 = arith.addi %mul3A_2, %mul3A_339 : i32
        %add3A_341 = arith.constant 1 : i32
        %add3A_342 = arith.addi %add3A_340, %add3A_341 : i32
        %dma_start3A_343 = arith.constant 200 : i32
        %dma_start3A_344 = arith.constant 0 : i32
        %dma_start3A_345 = tpu.memref_slice %arg9[%dma_start3A_343, %dma_start3A_344] : memref<400x64xf32, #tpu.memory_space<vmem>> -> memref<200x64xf32, #tpu.memory_space<vmem>>
        %dma_start3A_346 = arith.constant 0 : i32
        %dma_start3A_347 = arith.constant 0 : i32
        %dma_start3A_348 = tpu.memref_slice %arg4[%add3A_342, %dma_start3A_346, %dma_start3A_347] : memref<4096x200x128xf32, #tpu.memory_space<hbm>> -> memref<1x200x64xf32, #tpu.memory_space<hbm>>
        %dma_start3A_349 = tpu.memref_squeeze %dma_start3A_348 : memref<1x200x64xf32, #tpu.memory_space<hbm>> -> memref<200x64xf32, #tpu.memory_space<hbm>>
        %dma_start3A_350 = arith.constant 0 : i32
        %dma_start3A_351 = arith.constant 0 : i32
        %dma_start3A_352 = tpu.memref_slice %arg4[%add3A_342, %dma_start3A_350, %dma_start3A_351] : memref<4096x200x128xf32, #tpu.memory_space<hbm>> -> memref<1x200x64xf32, #tpu.memory_space<hbm>>
        %dma_start3A_353 = tpu.memref_squeeze %dma_start3A_352 : memref<1x200x64xf32, #tpu.memory_space<hbm>> -> memref<200x64xf32, #tpu.memory_space<hbm>>
        %dma_start3A_354 = arith.constant 200 : i32
        %dma_start3A_355 = arith.constant 0 : i32
        %dma_start3A_356 = tpu.memref_slice %arg9[%dma_start3A_354, %dma_start3A_355] : memref<400x64xf32, #tpu.memory_space<vmem>> -> memref<200x64xf32, #tpu.memory_space<vmem>>
        tpu.enqueue_dma source(%dma_start3A_356 : memref<200x64xf32, #tpu.memory_space<vmem>>) target(%dma_start3A_353 : memref<200x64xf32, #tpu.memory_space<hbm>>) target_semaphore(%arg17 : memref<!tpu.dma_semaphore, #tpu.memory_space<semaphore_mem>>)
      } else {
      }
      %mul3A_259 = arith.constant 4 : i32
      %mul3A_260 = arith.muli %scan3A_213, %mul3A_259 : i32
      %add3A_261 = arith.constant 2 : i32
      %add3A_262 = arith.addi %mul3A_260, %add3A_261 : i32
      %mul3A_263 = arith.constant 2 : i32
      %mul3A_264 = arith.muli %add3A_262, %mul3A_263 : i32
      %add3A_265 = arith.addi %mul3A_2, %mul3A_264 : i32
      %mul3A_266 = arith.constant 200 : i32
      %mul3A_267 = arith.muli %add3A_265, %mul3A_266 : i32
      %dma_wait3A_268 = tpu.memref_slice %arg2[%mul3A_267] : memref<819200xi32, #tpu.memory_space<hbm>> -> memref<400xi32, #tpu.memory_space<hbm>>
      %dma_wait3A_269 = tpu.memref_slice %arg2[%mul3A_267] : memref<819200xi32, #tpu.memory_space<hbm>> -> memref<400xi32, #tpu.memory_space<hbm>>
      tpu.wait_dma2 semaphore(%arg15 : memref<!tpu.dma_semaphore, #tpu.memory_space<semaphore_mem>>) src(%dma_wait3A_269 : memref<400xi32, #tpu.memory_space<hbm>>) dst(%arg7 : memref<400xi32, #tpu.memory_space<vmem>>)
      %gt3A_270 = arith.constant 0 : i32
      %gt3A_271 = arith.cmpi sgt, %scan3A_213, %gt3A_270 : i32
      %convert_element_type3A_272 = arith.extui %gt3A_271 : i1 to i32
      %cond3A_273 = arith.constant 0 : i32
      %cond3A_274 = arith.cmpi ne, %convert_element_type3A_272, %cond3A_273 : i32
      scf.if %cond3A_274 {
        %sub3A = arith.constant 4 : i32
        %sub3A_307 = arith.subi %add3A_262, %sub3A : i32
        %mul3A_308 = arith.constant 2 : i32
        %mul3A_309 = arith.muli %sub3A_307, %mul3A_308 : i32
        %add3A_310 = arith.addi %mul3A_2, %mul3A_309 : i32
        %add3A_311 = arith.constant 0 : i32
        %add3A_312 = arith.addi %add3A_310, %add3A_311 : i32
        %dma_wait3A_313 = arith.constant 0 : i32
        %dma_wait3A_314 = arith.constant 0 : i32
        %dma_wait3A_315 = tpu.memref_slice %arg11[%dma_wait3A_313, %dma_wait3A_314] : memref<400x64xf32, #tpu.memory_space<vmem>> -> memref<200x64xf32, #tpu.memory_space<vmem>>
        %dma_wait3A_316 = arith.constant 0 : i32
        %dma_wait3A_317 = arith.constant 0 : i32
        %dma_wait3A_318 = tpu.memref_slice %arg4[%add3A_312, %dma_wait3A_316, %dma_wait3A_317] : memref<4096x200x128xf32, #tpu.memory_space<hbm>> -> memref<1x200x64xf32, #tpu.memory_space<hbm>>
        %dma_wait3A_319 = tpu.memref_squeeze %dma_wait3A_318 : memref<1x200x64xf32, #tpu.memory_space<hbm>> -> memref<200x64xf32, #tpu.memory_space<hbm>>
        %dma_wait3A_320 = arith.constant 0 : i32
        %dma_wait3A_321 = arith.constant 0 : i32
        %dma_wait3A_322 = tpu.memref_slice %arg4[%add3A_312, %dma_wait3A_320, %dma_wait3A_321] : memref<4096x200x128xf32, #tpu.memory_space<hbm>> -> memref<1x200x64xf32, #tpu.memory_space<hbm>>
        %dma_wait3A_323 = tpu.memref_squeeze %dma_wait3A_322 : memref<1x200x64xf32, #tpu.memory_space<hbm>> -> memref<200x64xf32, #tpu.memory_space<hbm>>
        %dma_wait3A_324 = arith.constant 0 : i32
        %dma_wait3A_325 = arith.constant 0 : i32
        %dma_wait3A_326 = tpu.memref_slice %arg11[%dma_wait3A_324, %dma_wait3A_325] : memref<400x64xf32, #tpu.memory_space<vmem>> -> memref<200x64xf32, #tpu.memory_space<vmem>>
        tpu.wait_dma2 semaphore(%arg19 : memref<!tpu.dma_semaphore, #tpu.memory_space<semaphore_mem>>) src(%dma_wait3A_326 : memref<200x64xf32, #tpu.memory_space<vmem>>) dst(%dma_wait3A_323 : memref<200x64xf32, #tpu.memory_space<hbm>>)
        %mul3A_327 = arith.constant 2 : i32
        %mul3A_328 = arith.muli %sub3A_307, %mul3A_327 : i32
        %add3A_329 = arith.addi %mul3A_2, %mul3A_328 : i32
        %add3A_330 = arith.constant 1 : i32
        %add3A_331 = arith.addi %add3A_329, %add3A_330 : i32
        %dma_wait3A_332 = arith.constant 200 : i32
        %dma_wait3A_333 = arith.constant 0 : i32
        %dma_wait3A_334 = tpu.memref_slice %arg11[%dma_wait3A_332, %dma_wait3A_333] : memref<400x64xf32, #tpu.memory_space<vmem>> -> memref<200x64xf32, #tpu.memory_space<vmem>>
        %dma_wait3A_335 = arith.constant 0 : i32
        %dma_wait3A_336 = arith.constant 0 : i32
        %dma_wait3A_337 = tpu.memref_slice %arg4[%add3A_331, %dma_wait3A_335, %dma_wait3A_336] : memref<4096x200x128xf32, #tpu.memory_space<hbm>> -> memref<1x200x64xf32, #tpu.memory_space<hbm>>
        %dma_wait3A_338 = tpu.memref_squeeze %dma_wait3A_337 : memref<1x200x64xf32, #tpu.memory_space<hbm>> -> memref<200x64xf32, #tpu.memory_space<hbm>>
        %dma_wait3A_339 = arith.constant 0 : i32
        %dma_wait3A_340 = arith.constant 0 : i32
        %dma_wait3A_341 = tpu.memref_slice %arg4[%add3A_331, %dma_wait3A_339, %dma_wait3A_340] : memref<4096x200x128xf32, #tpu.memory_space<hbm>> -> memref<1x200x64xf32, #tpu.memory_space<hbm>>
        %dma_wait3A_342 = tpu.memref_squeeze %dma_wait3A_341 : memref<1x200x64xf32, #tpu.memory_space<hbm>> -> memref<200x64xf32, #tpu.memory_space<hbm>>
        %dma_wait3A_343 = arith.constant 200 : i32
        %dma_wait3A_344 = arith.constant 0 : i32
        %dma_wait3A_345 = tpu.memref_slice %arg11[%dma_wait3A_343, %dma_wait3A_344] : memref<400x64xf32, #tpu.memory_space<vmem>> -> memref<200x64xf32, #tpu.memory_space<vmem>>
        tpu.wait_dma2 semaphore(%arg19 : memref<!tpu.dma_semaphore, #tpu.memory_space<semaphore_mem>>) src(%dma_wait3A_345 : memref<200x64xf32, #tpu.memory_space<vmem>>) dst(%dma_wait3A_342 : memref<200x64xf32, #tpu.memory_space<hbm>>)
      } else {
      }
      %dma_start3A_275 = arith.constant 0 : i32
      %dma_start3A_276 = arith.constant 0 : i32
      %dma_start3A_277 = tpu.memref_slice %arg3[%dma_start3A_275, %dma_start3A_276] : memref<1000000x64xf32, #tpu.memory_space<hbm>> -> memref<1000000x64xf32, #tpu.memory_space<hbm>>
      tpu.enqueue_indirect_dma source(%dma_start3A_277 : memref<1000000x64xf32, #tpu.memory_space<hbm>>) target(%arg11 : memref<400x64xf32, #tpu.memory_space<vmem>>) offsets(%arg7 : memref<400xi32, #tpu.memory_space<vmem>>) semaphore(%arg23 : memref<!tpu.dma_semaphore, #tpu.memory_space<semaphore_mem>>)
      %gt3A_278 = arith.constant 0 : i32
      %gt3A_279 = arith.cmpi sgt, %add3A_262, %gt3A_278 : i32
      %convert_element_type3A_280 = arith.extui %gt3A_279 : i1 to i32
      %cond3A_281 = arith.constant 0 : i32
      %cond3A_282 = arith.cmpi ne, %convert_element_type3A_280, %cond3A_281 : i32
      scf.if %cond3A_282 {
        %dma_wait3A_307 = arith.constant 0 : i32
        %dma_wait3A_308 = arith.constant 0 : i32
        %dma_wait3A_309 = tpu.memref_slice %arg3[%dma_wait3A_307, %dma_wait3A_308] : memref<1000000x64xf32, #tpu.memory_space<hbm>> -> memref<1000000x64xf32, #tpu.memory_space<hbm>>
        tpu.wait_indirect_dma semaphore(%arg22 : memref<!tpu.dma_semaphore, #tpu.memory_space<semaphore_mem>>) src(%dma_wait3A_309 : memref<1000000x64xf32, #tpu.memory_space<hbm>>) dst(%arg10 : memref<400x64xf32, #tpu.memory_space<vmem>>)
        %sub3A = arith.constant 1 : i32
        %sub3A_310 = arith.subi %add3A_262, %sub3A : i32
        %add3A_311 = arith.constant 4 : i32
        %add3A_312 = arith.addi %sub3A_310, %add3A_311 : i32
        %lt3A = arith.constant 64 : i32
        %lt3A_313 = arith.cmpi slt, %add3A_312, %lt3A : i32
        %convert_element_type3A_314 = arith.extui %lt3A_313 : i1 to i32
        %cond3A_315 = arith.constant 0 : i32
        %cond3A_316 = arith.cmpi ne, %convert_element_type3A_314, %cond3A_315 : i32
        scf.if %cond3A_316 {
          %sub3A_357 = arith.constant 1 : i32
          %sub3A_358 = arith.subi %add3A_262, %sub3A_357 : i32
          %add3A_359 = arith.constant 4 : i32
          %add3A_360 = arith.addi %sub3A_358, %add3A_359 : i32
          %mul3A_361 = arith.constant 2 : i32
          %mul3A_362 = arith.muli %add3A_360, %mul3A_361 : i32
          %add3A_363 = arith.addi %mul3A_2, %mul3A_362 : i32
          %mul3A_364 = arith.constant 200 : i32
          %mul3A_365 = arith.muli %add3A_363, %mul3A_364 : i32
          %dma_start3A_366 = tpu.memref_slice %arg2[%mul3A_365] : memref<819200xi32, #tpu.memory_space<hbm>> -> memref<400xi32, #tpu.memory_space<hbm>>
          %dma_start3A_367 = tpu.memref_slice %arg2[%mul3A_365] : memref<819200xi32, #tpu.memory_space<hbm>> -> memref<400xi32, #tpu.memory_space<hbm>>
          tpu.enqueue_dma source(%dma_start3A_367 : memref<400xi32, #tpu.memory_space<hbm>>) target(%arg6 : memref<400xi32, #tpu.memory_space<vmem>>) target_semaphore(%arg14 : memref<!tpu.dma_semaphore, #tpu.memory_space<semaphore_mem>>)
        } else {
        }
        %sub3A_317 = arith.constant 1 : i32
        %sub3A_318 = arith.subi %add3A_262, %sub3A_317 : i32
        %mul3A_319 = arith.constant 2 : i32
        %mul3A_320 = arith.muli %sub3A_318, %mul3A_319 : i32
        %add3A_321 = arith.addi %mul3A_2, %mul3A_320 : i32
        %add3A_322 = arith.constant 0 : i32
        %add3A_323 = arith.addi %add3A_321, %add3A_322 : i32
        %dma_start3A_324 = arith.constant 0 : i32
        %dma_start3A_325 = arith.constant 0 : i32
        %dma_start3A_326 = tpu.memref_slice %arg10[%dma_start3A_324, %dma_start3A_325] : memref<400x64xf32, #tpu.memory_space<vmem>> -> memref<200x64xf32, #tpu.memory_space<vmem>>
        %dma_start3A_327 = arith.constant 0 : i32
        %dma_start3A_328 = arith.constant 0 : i32
        %dma_start3A_329 = tpu.memref_slice %arg4[%add3A_323, %dma_start3A_327, %dma_start3A_328] : memref<4096x200x128xf32, #tpu.memory_space<hbm>> -> memref<1x200x64xf32, #tpu.memory_space<hbm>>
        %dma_start3A_330 = tpu.memref_squeeze %dma_start3A_329 : memref<1x200x64xf32, #tpu.memory_space<hbm>> -> memref<200x64xf32, #tpu.memory_space<hbm>>
        %dma_start3A_331 = arith.constant 0 : i32
        %dma_start3A_332 = arith.constant 0 : i32
        %dma_start3A_333 = tpu.memref_slice %arg4[%add3A_323, %dma_start3A_331, %dma_start3A_332] : memref<4096x200x128xf32, #tpu.memory_space<hbm>> -> memref<1x200x64xf32, #tpu.memory_space<hbm>>
        %dma_start3A_334 = tpu.memref_squeeze %dma_start3A_333 : memref<1x200x64xf32, #tpu.memory_space<hbm>> -> memref<200x64xf32, #tpu.memory_space<hbm>>
        %dma_start3A_335 = arith.constant 0 : i32
        %dma_start3A_336 = arith.constant 0 : i32
        %dma_start3A_337 = tpu.memref_slice %arg10[%dma_start3A_335, %dma_start3A_336] : memref<400x64xf32, #tpu.memory_space<vmem>> -> memref<200x64xf32, #tpu.memory_space<vmem>>
        tpu.enqueue_dma source(%dma_start3A_337 : memref<200x64xf32, #tpu.memory_space<vmem>>) target(%dma_start3A_334 : memref<200x64xf32, #tpu.memory_space<hbm>>) target_semaphore(%arg18 : memref<!tpu.dma_semaphore, #tpu.memory_space<semaphore_mem>>)
        %mul3A_338 = arith.constant 2 : i32
        %mul3A_339 = arith.muli %sub3A_318, %mul3A_338 : i32
        %add3A_340 = arith.addi %mul3A_2, %mul3A_339 : i32
        %add3A_341 = arith.constant 1 : i32
        %add3A_342 = arith.addi %add3A_340, %add3A_341 : i32
        %dma_start3A_343 = arith.constant 200 : i32
        %dma_start3A_344 = arith.constant 0 : i32
        %dma_start3A_345 = tpu.memref_slice %arg10[%dma_start3A_343, %dma_start3A_344] : memref<400x64xf32, #tpu.memory_space<vmem>> -> memref<200x64xf32, #tpu.memory_space<vmem>>
        %dma_start3A_346 = arith.constant 0 : i32
        %dma_start3A_347 = arith.constant 0 : i32
        %dma_start3A_348 = tpu.memref_slice %arg4[%add3A_342, %dma_start3A_346, %dma_start3A_347] : memref<4096x200x128xf32, #tpu.memory_space<hbm>> -> memref<1x200x64xf32, #tpu.memory_space<hbm>>
        %dma_start3A_349 = tpu.memref_squeeze %dma_start3A_348 : memref<1x200x64xf32, #tpu.memory_space<hbm>> -> memref<200x64xf32, #tpu.memory_space<hbm>>
        %dma_start3A_350 = arith.constant 0 : i32
        %dma_start3A_351 = arith.constant 0 : i32
        %dma_start3A_352 = tpu.memref_slice %arg4[%add3A_342, %dma_start3A_350, %dma_start3A_351] : memref<4096x200x128xf32, #tpu.memory_space<hbm>> -> memref<1x200x64xf32, #tpu.memory_space<hbm>>
        %dma_start3A_353 = tpu.memref_squeeze %dma_start3A_352 : memref<1x200x64xf32, #tpu.memory_space<hbm>> -> memref<200x64xf32, #tpu.memory_space<hbm>>
        %dma_start3A_354 = arith.constant 200 : i32
        %dma_start3A_355 = arith.constant 0 : i32
        %dma_start3A_356 = tpu.memref_slice %arg10[%dma_start3A_354, %dma_start3A_355] : memref<400x64xf32, #tpu.memory_space<vmem>> -> memref<200x64xf32, #tpu.memory_space<vmem>>
        tpu.enqueue_dma source(%dma_start3A_356 : memref<200x64xf32, #tpu.memory_space<vmem>>) target(%dma_start3A_353 : memref<200x64xf32, #tpu.memory_space<hbm>>) target_semaphore(%arg18 : memref<!tpu.dma_semaphore, #tpu.memory_space<semaphore_mem>>)
      } else {
      }
      %mul3A_283 = arith.constant 4 : i32
      %mul3A_284 = arith.muli %scan3A_213, %mul3A_283 : i32
      %add3A_285 = arith.constant 3 : i32
      %add3A_286 = arith.addi %mul3A_284, %add3A_285 : i32
      %mul3A_287 = arith.constant 2 : i32
      %mul3A_288 = arith.muli %add3A_286, %mul3A_287 : i32
      %add3A_289 = arith.addi %mul3A_2, %mul3A_288 : i32
      %mul3A_290 = arith.constant 200 : i32
      %mul3A_291 = arith.muli %add3A_289, %mul3A_290 : i32
      %dma_wait3A_292 = tpu.memref_slice %arg2[%mul3A_291] : memref<819200xi32, #tpu.memory_space<hbm>> -> memref<400xi32, #tpu.memory_space<hbm>>
      %dma_wait3A_293 = tpu.memref_slice %arg2[%mul3A_291] : memref<819200xi32, #tpu.memory_space<hbm>> -> memref<400xi32, #tpu.memory_space<hbm>>
      tpu.wait_dma2 semaphore(%arg16 : memref<!tpu.dma_semaphore, #tpu.memory_space<semaphore_mem>>) src(%dma_wait3A_293 : memref<400xi32, #tpu.memory_space<hbm>>) dst(%arg8 : memref<400xi32, #tpu.memory_space<vmem>>)
      %gt3A_294 = arith.constant 0 : i32
      %gt3A_295 = arith.cmpi sgt, %scan3A_213, %gt3A_294 : i32
      %convert_element_type3A_296 = arith.extui %gt3A_295 : i1 to i32
      %cond3A_297 = arith.constant 0 : i32
      %cond3A_298 = arith.cmpi ne, %convert_element_type3A_296, %cond3A_297 : i32
      scf.if %cond3A_298 {
        %sub3A = arith.constant 4 : i32
        %sub3A_307 = arith.subi %add3A_286, %sub3A : i32
        %mul3A_308 = arith.constant 2 : i32
        %mul3A_309 = arith.muli %sub3A_307, %mul3A_308 : i32
        %add3A_310 = arith.addi %mul3A_2, %mul3A_309 : i32
        %add3A_311 = arith.constant 0 : i32
        %add3A_312 = arith.addi %add3A_310, %add3A_311 : i32
        %dma_wait3A_313 = arith.constant 0 : i32
        %dma_wait3A_314 = arith.constant 0 : i32
        %dma_wait3A_315 = tpu.memref_slice %arg12[%dma_wait3A_313, %dma_wait3A_314] : memref<400x64xf32, #tpu.memory_space<vmem>> -> memref<200x64xf32, #tpu.memory_space<vmem>>
        %dma_wait3A_316 = arith.constant 0 : i32
        %dma_wait3A_317 = arith.constant 0 : i32
        %dma_wait3A_318 = tpu.memref_slice %arg4[%add3A_312, %dma_wait3A_316, %dma_wait3A_317] : memref<4096x200x128xf32, #tpu.memory_space<hbm>> -> memref<1x200x64xf32, #tpu.memory_space<hbm>>
        %dma_wait3A_319 = tpu.memref_squeeze %dma_wait3A_318 : memref<1x200x64xf32, #tpu.memory_space<hbm>> -> memref<200x64xf32, #tpu.memory_space<hbm>>
        %dma_wait3A_320 = arith.constant 0 : i32
        %dma_wait3A_321 = arith.constant 0 : i32
        %dma_wait3A_322 = tpu.memref_slice %arg4[%add3A_312, %dma_wait3A_320, %dma_wait3A_321] : memref<4096x200x128xf32, #tpu.memory_space<hbm>> -> memref<1x200x64xf32, #tpu.memory_space<hbm>>
        %dma_wait3A_323 = tpu.memref_squeeze %dma_wait3A_322 : memref<1x200x64xf32, #tpu.memory_space<hbm>> -> memref<200x64xf32, #tpu.memory_space<hbm>>
        %dma_wait3A_324 = arith.constant 0 : i32
        %dma_wait3A_325 = arith.constant 0 : i32
        %dma_wait3A_326 = tpu.memref_slice %arg12[%dma_wait3A_324, %dma_wait3A_325] : memref<400x64xf32, #tpu.memory_space<vmem>> -> memref<200x64xf32, #tpu.memory_space<vmem>>
        tpu.wait_dma2 semaphore(%arg20 : memref<!tpu.dma_semaphore, #tpu.memory_space<semaphore_mem>>) src(%dma_wait3A_326 : memref<200x64xf32, #tpu.memory_space<vmem>>) dst(%dma_wait3A_323 : memref<200x64xf32, #tpu.memory_space<hbm>>)
        %mul3A_327 = arith.constant 2 : i32
        %mul3A_328 = arith.muli %sub3A_307, %mul3A_327 : i32
        %add3A_329 = arith.addi %mul3A_2, %mul3A_328 : i32
        %add3A_330 = arith.constant 1 : i32
        %add3A_331 = arith.addi %add3A_329, %add3A_330 : i32
        %dma_wait3A_332 = arith.constant 200 : i32
        %dma_wait3A_333 = arith.constant 0 : i32
        %dma_wait3A_334 = tpu.memref_slice %arg12[%dma_wait3A_332, %dma_wait3A_333] : memref<400x64xf32, #tpu.memory_space<vmem>> -> memref<200x64xf32, #tpu.memory_space<vmem>>
        %dma_wait3A_335 = arith.constant 0 : i32
        %dma_wait3A_336 = arith.constant 0 : i32
        %dma_wait3A_337 = tpu.memref_slice %arg4[%add3A_331, %dma_wait3A_335, %dma_wait3A_336] : memref<4096x200x128xf32, #tpu.memory_space<hbm>> -> memref<1x200x64xf32, #tpu.memory_space<hbm>>
        %dma_wait3A_338 = tpu.memref_squeeze %dma_wait3A_337 : memref<1x200x64xf32, #tpu.memory_space<hbm>> -> memref<200x64xf32, #tpu.memory_space<hbm>>
        %dma_wait3A_339 = arith.constant 0 : i32
        %dma_wait3A_340 = arith.constant 0 : i32
        %dma_wait3A_341 = tpu.memref_slice %arg4[%add3A_331, %dma_wait3A_339, %dma_wait3A_340] : memref<4096x200x128xf32, #tpu.memory_space<hbm>> -> memref<1x200x64xf32, #tpu.memory_space<hbm>>
        %dma_wait3A_342 = tpu.memref_squeeze %dma_wait3A_341 : memref<1x200x64xf32, #tpu.memory_space<hbm>> -> memref<200x64xf32, #tpu.memory_space<hbm>>
        %dma_wait3A_343 = arith.constant 200 : i32
        %dma_wait3A_344 = arith.constant 0 : i32
        %dma_wait3A_345 = tpu.memref_slice %arg12[%dma_wait3A_343, %dma_wait3A_344] : memref<400x64xf32, #tpu.memory_space<vmem>> -> memref<200x64xf32, #tpu.memory_space<vmem>>
        tpu.wait_dma2 semaphore(%arg20 : memref<!tpu.dma_semaphore, #tpu.memory_space<semaphore_mem>>) src(%dma_wait3A_345 : memref<200x64xf32, #tpu.memory_space<vmem>>) dst(%dma_wait3A_342 : memref<200x64xf32, #tpu.memory_space<hbm>>)
      } else {
      }
      %dma_start3A_299 = arith.constant 0 : i32
      %dma_start3A_300 = arith.constant 0 : i32
      %dma_start3A_301 = tpu.memref_slice %arg3[%dma_start3A_299, %dma_start3A_300] : memref<1000000x64xf32, #tpu.memory_space<hbm>> -> memref<1000000x64xf32, #tpu.memory_space<hbm>>
      tpu.enqueue_indirect_dma source(%dma_start3A_301 : memref<1000000x64xf32, #tpu.memory_space<hbm>>) target(%arg12 : memref<400x64xf32, #tpu.memory_space<vmem>>) offsets(%arg8 : memref<400xi32, #tpu.memory_space<vmem>>) semaphore(%arg24 : memref<!tpu.dma_semaphore, #tpu.memory_space<semaphore_mem>>)
      %gt3A_302 = arith.constant 0 : i32
      %gt3A_303 = arith.cmpi sgt, %add3A_286, %gt3A_302 : i32
      %convert_element_type3A_304 = arith.extui %gt3A_303 : i1 to i32
      %cond3A_305 = arith.constant 0 : i32
      %cond3A_306 = arith.cmpi ne, %convert_element_type3A_304, %cond3A_305 : i32
      scf.if %cond3A_306 {
        %dma_wait3A_307 = arith.constant 0 : i32
        %dma_wait3A_308 = arith.constant 0 : i32
        %dma_wait3A_309 = tpu.memref_slice %arg3[%dma_wait3A_307, %dma_wait3A_308] : memref<1000000x64xf32, #tpu.memory_space<hbm>> -> memref<1000000x64xf32, #tpu.memory_space<hbm>>
        tpu.wait_indirect_dma semaphore(%arg23 : memref<!tpu.dma_semaphore, #tpu.memory_space<semaphore_mem>>) src(%dma_wait3A_309 : memref<1000000x64xf32, #tpu.memory_space<hbm>>) dst(%arg11 : memref<400x64xf32, #tpu.memory_space<vmem>>)
        %sub3A = arith.constant 1 : i32
        %sub3A_310 = arith.subi %add3A_286, %sub3A : i32
        %add3A_311 = arith.constant 4 : i32
        %add3A_312 = arith.addi %sub3A_310, %add3A_311 : i32
        %lt3A = arith.constant 64 : i32
        %lt3A_313 = arith.cmpi slt, %add3A_312, %lt3A : i32
        %convert_element_type3A_314 = arith.extui %lt3A_313 : i1 to i32
        %cond3A_315 = arith.constant 0 : i32
        %cond3A_316 = arith.cmpi ne, %convert_element_type3A_314, %cond3A_315 : i32
        scf.if %cond3A_316 {
          %sub3A_357 = arith.constant 1 : i32
          %sub3A_358 = arith.subi %add3A_286, %sub3A_357 : i32
          %add3A_359 = arith.constant 4 : i32
          %add3A_360 = arith.addi %sub3A_358, %add3A_359 : i32
          %mul3A_361 = arith.constant 2 : i32
          %mul3A_362 = arith.muli %add3A_360, %mul3A_361 : i32
          %add3A_363 = arith.addi %mul3A_2, %mul3A_362 : i32
          %mul3A_364 = arith.constant 200 : i32
          %mul3A_365 = arith.muli %add3A_363, %mul3A_364 : i32
          %dma_start3A_366 = tpu.memref_slice %arg2[%mul3A_365] : memref<819200xi32, #tpu.memory_space<hbm>> -> memref<400xi32, #tpu.memory_space<hbm>>
          %dma_start3A_367 = tpu.memref_slice %arg2[%mul3A_365] : memref<819200xi32, #tpu.memory_space<hbm>> -> memref<400xi32, #tpu.memory_space<hbm>>
          tpu.enqueue_dma source(%dma_start3A_367 : memref<400xi32, #tpu.memory_space<hbm>>) target(%arg7 : memref<400xi32, #tpu.memory_space<vmem>>) target_semaphore(%arg15 : memref<!tpu.dma_semaphore, #tpu.memory_space<semaphore_mem>>)
        } else {
        }
        %sub3A_317 = arith.constant 1 : i32
        %sub3A_318 = arith.subi %add3A_286, %sub3A_317 : i32
        %mul3A_319 = arith.constant 2 : i32
        %mul3A_320 = arith.muli %sub3A_318, %mul3A_319 : i32
        %add3A_321 = arith.addi %mul3A_2, %mul3A_320 : i32
        %add3A_322 = arith.constant 0 : i32
        %add3A_323 = arith.addi %add3A_321, %add3A_322 : i32
        %dma_start3A_324 = arith.constant 0 : i32
        %dma_start3A_325 = arith.constant 0 : i32
        %dma_start3A_326 = tpu.memref_slice %arg11[%dma_start3A_324, %dma_start3A_325] : memref<400x64xf32, #tpu.memory_space<vmem>> -> memref<200x64xf32, #tpu.memory_space<vmem>>
        %dma_start3A_327 = arith.constant 0 : i32
        %dma_start3A_328 = arith.constant 0 : i32
        %dma_start3A_329 = tpu.memref_slice %arg4[%add3A_323, %dma_start3A_327, %dma_start3A_328] : memref<4096x200x128xf32, #tpu.memory_space<hbm>> -> memref<1x200x64xf32, #tpu.memory_space<hbm>>
        %dma_start3A_330 = tpu.memref_squeeze %dma_start3A_329 : memref<1x200x64xf32, #tpu.memory_space<hbm>> -> memref<200x64xf32, #tpu.memory_space<hbm>>
        %dma_start3A_331 = arith.constant 0 : i32
        %dma_start3A_332 = arith.constant 0 : i32
        %dma_start3A_333 = tpu.memref_slice %arg4[%add3A_323, %dma_start3A_331, %dma_start3A_332] : memref<4096x200x128xf32, #tpu.memory_space<hbm>> -> memref<1x200x64xf32, #tpu.memory_space<hbm>>
        %dma_start3A_334 = tpu.memref_squeeze %dma_start3A_333 : memref<1x200x64xf32, #tpu.memory_space<hbm>> -> memref<200x64xf32, #tpu.memory_space<hbm>>
        %dma_start3A_335 = arith.constant 0 : i32
        %dma_start3A_336 = arith.constant 0 : i32
        %dma_start3A_337 = tpu.memref_slice %arg11[%dma_start3A_335, %dma_start3A_336] : memref<400x64xf32, #tpu.memory_space<vmem>> -> memref<200x64xf32, #tpu.memory_space<vmem>>
        tpu.enqueue_dma source(%dma_start3A_337 : memref<200x64xf32, #tpu.memory_space<vmem>>) target(%dma_start3A_334 : memref<200x64xf32, #tpu.memory_space<hbm>>) target_semaphore(%arg19 : memref<!tpu.dma_semaphore, #tpu.memory_space<semaphore_mem>>)
        %mul3A_338 = arith.constant 2 : i32
        %mul3A_339 = arith.muli %sub3A_318, %mul3A_338 : i32
        %add3A_340 = arith.addi %mul3A_2, %mul3A_339 : i32
        %add3A_341 = arith.constant 1 : i32
        %add3A_342 = arith.addi %add3A_340, %add3A_341 : i32
        %dma_start3A_343 = arith.constant 200 : i32
        %dma_start3A_344 = arith.constant 0 : i32
        %dma_start3A_345 = tpu.memref_slice %arg11[%dma_start3A_343, %dma_start3A_344] : memref<400x64xf32, #tpu.memory_space<vmem>> -> memref<200x64xf32, #tpu.memory_space<vmem>>
        %dma_start3A_346 = arith.constant 0 : i32
        %dma_start3A_347 = arith.constant 0 : i32
        %dma_start3A_348 = tpu.memref_slice %arg4[%add3A_342, %dma_start3A_346, %dma_start3A_347] : memref<4096x200x128xf32, #tpu.memory_space<hbm>> -> memref<1x200x64xf32, #tpu.memory_space<hbm>>
        %dma_start3A_349 = tpu.memref_squeeze %dma_start3A_348 : memref<1x200x64xf32, #tpu.memory_space<hbm>> -> memref<200x64xf32, #tpu.memory_space<hbm>>
        %dma_start3A_350 = arith.constant 0 : i32
        %dma_start3A_351 = arith.constant 0 : i32
        %dma_start3A_352 = tpu.memref_slice %arg4[%add3A_342, %dma_start3A_350, %dma_start3A_351] : memref<4096x200x128xf32, #tpu.memory_space<hbm>> -> memref<1x200x64xf32, #tpu.memory_space<hbm>>
        %dma_start3A_353 = tpu.memref_squeeze %dma_start3A_352 : memref<1x200x64xf32, #tpu.memory_space<hbm>> -> memref<200x64xf32, #tpu.memory_space<hbm>>
        %dma_start3A_354 = arith.constant 200 : i32
        %dma_start3A_355 = arith.constant 0 : i32
        %dma_start3A_356 = tpu.memref_slice %arg11[%dma_start3A_354, %dma_start3A_355] : memref<400x64xf32, #tpu.memory_space<vmem>> -> memref<200x64xf32, #tpu.memory_space<vmem>>
        tpu.enqueue_dma source(%dma_start3A_356 : memref<200x64xf32, #tpu.memory_space<vmem>>) target(%dma_start3A_353 : memref<200x64xf32, #tpu.memory_space<hbm>>) target_semaphore(%arg19 : memref<!tpu.dma_semaphore, #tpu.memory_space<semaphore_mem>>)
      } else {
      }
    }
    %scan3A_30 = arith.constant 16 : i32
    %dma_wait3A = arith.constant 0 : i32
    %dma_wait3A_31 = arith.constant 0 : i32
    %dma_wait3A_32 = tpu.memref_slice %arg3[%dma_wait3A, %dma_wait3A_31] : memref<1000000x64xf32, #tpu.memory_space<hbm>> -> memref<1000000x64xf32, #tpu.memory_space<hbm>>
    tpu.wait_indirect_dma semaphore(%arg24 : memref<!tpu.dma_semaphore, #tpu.memory_space<semaphore_mem>>) src(%dma_wait3A_32 : memref<1000000x64xf32, #tpu.memory_space<hbm>>) dst(%arg12 : memref<400x64xf32, #tpu.memory_space<vmem>>)
    %add3A_33 = arith.constant 126 : i32
    %add3A_34 = arith.addi %mul3A_2, %add3A_33 : i32
    %add3A_35 = arith.constant 0 : i32
    %add3A_36 = arith.addi %add3A_34, %add3A_35 : i32
    %dma_start3A_37 = arith.constant 0 : i32
    %dma_start3A_38 = arith.constant 0 : i32
    %dma_start3A_39 = tpu.memref_slice %arg12[%dma_start3A_37, %dma_start3A_38] : memref<400x64xf32, #tpu.memory_space<vmem>> -> memref<200x64xf32, #tpu.memory_space<vmem>>
    %dma_start3A_40 = arith.constant 0 : i32
    %dma_start3A_41 = arith.constant 0 : i32
    %dma_start3A_42 = tpu.memref_slice %arg4[%add3A_36, %dma_start3A_40, %dma_start3A_41] : memref<4096x200x128xf32, #tpu.memory_space<hbm>> -> memref<1x200x64xf32, #tpu.memory_space<hbm>>
    %dma_start3A_43 = tpu.memref_squeeze %dma_start3A_42 : memref<1x200x64xf32, #tpu.memory_space<hbm>> -> memref<200x64xf32, #tpu.memory_space<hbm>>
    %dma_start3A_44 = arith.constant 0 : i32
    %dma_start3A_45 = arith.constant 0 : i32
    %dma_start3A_46 = tpu.memref_slice %arg4[%add3A_36, %dma_start3A_44, %dma_start3A_45] : memref<4096x200x128xf32, #tpu.memory_space<hbm>> -> memref<1x200x64xf32, #tpu.memory_space<hbm>>
    %dma_start3A_47 = tpu.memref_squeeze %dma_start3A_46 : memref<1x200x64xf32, #tpu.memory_space<hbm>> -> memref<200x64xf32, #tpu.memory_space<hbm>>
    %dma_start3A_48 = arith.constant 0 : i32
    %dma_start3A_49 = arith.constant 0 : i32
    %dma_start3A_50 = tpu.memref_slice %arg12[%dma_start3A_48, %dma_start3A_49] : memref<400x64xf32, #tpu.memory_space<vmem>> -> memref<200x64xf32, #tpu.memory_space<vmem>>
    tpu.enqueue_dma source(%dma_start3A_50 : memref<200x64xf32, #tpu.memory_space<vmem>>) target(%dma_start3A_47 : memref<200x64xf32, #tpu.memory_space<hbm>>) target_semaphore(%arg20 : memref<!tpu.dma_semaphore, #tpu.memory_space<semaphore_mem>>)
    %add3A_51 = arith.constant 126 : i32
    %add3A_52 = arith.addi %mul3A_2, %add3A_51 : i32
    %add3A_53 = arith.constant 1 : i32
    %add3A_54 = arith.addi %add3A_52, %add3A_53 : i32
    %dma_start3A_55 = arith.constant 200 : i32
    %dma_start3A_56 = arith.constant 0 : i32
    %dma_start3A_57 = tpu.memref_slice %arg12[%dma_start3A_55, %dma_start3A_56] : memref<400x64xf32, #tpu.memory_space<vmem>> -> memref<200x64xf32, #tpu.memory_space<vmem>>
    %dma_start3A_58 = arith.constant 0 : i32
    %dma_start3A_59 = arith.constant 0 : i32
    %dma_start3A_60 = tpu.memref_slice %arg4[%add3A_54, %dma_start3A_58, %dma_start3A_59] : memref<4096x200x128xf32, #tpu.memory_space<hbm>> -> memref<1x200x64xf32, #tpu.memory_space<hbm>>
    %dma_start3A_61 = tpu.memref_squeeze %dma_start3A_60 : memref<1x200x64xf32, #tpu.memory_space<hbm>> -> memref<200x64xf32, #tpu.memory_space<hbm>>
    %dma_start3A_62 = arith.constant 0 : i32
    %dma_start3A_63 = arith.constant 0 : i32
    %dma_start3A_64 = tpu.memref_slice %arg4[%add3A_54, %dma_start3A_62, %dma_start3A_63] : memref<4096x200x128xf32, #tpu.memory_space<hbm>> -> memref<1x200x64xf32, #tpu.memory_space<hbm>>
    %dma_start3A_65 = tpu.memref_squeeze %dma_start3A_64 : memref<1x200x64xf32, #tpu.memory_space<hbm>> -> memref<200x64xf32, #tpu.memory_space<hbm>>
    %dma_start3A_66 = arith.constant 200 : i32
    %dma_start3A_67 = arith.constant 0 : i32
    %dma_start3A_68 = tpu.memref_slice %arg12[%dma_start3A_66, %dma_start3A_67] : memref<400x64xf32, #tpu.memory_space<vmem>> -> memref<200x64xf32, #tpu.memory_space<vmem>>
    tpu.enqueue_dma source(%dma_start3A_68 : memref<200x64xf32, #tpu.memory_space<vmem>>) target(%dma_start3A_65 : memref<200x64xf32, #tpu.memory_space<hbm>>) target_semaphore(%arg20 : memref<!tpu.dma_semaphore, #tpu.memory_space<semaphore_mem>>)
    %add3A_69 = arith.constant 120 : i32
    %add3A_70 = arith.addi %mul3A_2, %add3A_69 : i32
    %add3A_71 = arith.constant 0 : i32
    %add3A_72 = arith.addi %add3A_70, %add3A_71 : i32
    %dma_wait3A_73 = arith.constant 0 : i32
    %dma_wait3A_74 = arith.constant 0 : i32
    %dma_wait3A_75 = tpu.memref_slice %arg9[%dma_wait3A_73, %dma_wait3A_74] : memref<400x64xf32, #tpu.memory_space<vmem>> -> memref<200x64xf32, #tpu.memory_space<vmem>>
    %dma_wait3A_76 = arith.constant 0 : i32
    %dma_wait3A_77 = arith.constant 0 : i32
    %dma_wait3A_78 = tpu.memref_slice %arg4[%add3A_72, %dma_wait3A_76, %dma_wait3A_77] : memref<4096x200x128xf32, #tpu.memory_space<hbm>> -> memref<1x200x64xf32, #tpu.memory_space<hbm>>
    %dma_wait3A_79 = tpu.memref_squeeze %dma_wait3A_78 : memref<1x200x64xf32, #tpu.memory_space<hbm>> -> memref<200x64xf32, #tpu.memory_space<hbm>>
    %dma_wait3A_80 = arith.constant 0 : i32
    %dma_wait3A_81 = arith.constant 0 : i32
    %dma_wait3A_82 = tpu.memref_slice %arg4[%add3A_72, %dma_wait3A_80, %dma_wait3A_81] : memref<4096x200x128xf32, #tpu.memory_space<hbm>> -> memref<1x200x64xf32, #tpu.memory_space<hbm>>
    %dma_wait3A_83 = tpu.memref_squeeze %dma_wait3A_82 : memref<1x200x64xf32, #tpu.memory_space<hbm>> -> memref<200x64xf32, #tpu.memory_space<hbm>>
    %dma_wait3A_84 = arith.constant 0 : i32
    %dma_wait3A_85 = arith.constant 0 : i32
    %dma_wait3A_86 = tpu.memref_slice %arg9[%dma_wait3A_84, %dma_wait3A_85] : memref<400x64xf32, #tpu.memory_space<vmem>> -> memref<200x64xf32, #tpu.memory_space<vmem>>
    tpu.wait_dma2 semaphore(%arg17 : memref<!tpu.dma_semaphore, #tpu.memory_space<semaphore_mem>>) src(%dma_wait3A_86 : memref<200x64xf32, #tpu.memory_space<vmem>>) dst(%dma_wait3A_83 : memref<200x64xf32, #tpu.memory_space<hbm>>)
    %add3A_87 = arith.constant 120 : i32
    %add3A_88 = arith.addi %mul3A_2, %add3A_87 : i32
    %add3A_89 = arith.constant 1 : i32
    %add3A_90 = arith.addi %add3A_88, %add3A_89 : i32
    %dma_wait3A_91 = arith.constant 200 : i32
    %dma_wait3A_92 = arith.constant 0 : i32
    %dma_wait3A_93 = tpu.memref_slice %arg9[%dma_wait3A_91, %dma_wait3A_92] : memref<400x64xf32, #tpu.memory_space<vmem>> -> memref<200x64xf32, #tpu.memory_space<vmem>>
    %dma_wait3A_94 = arith.constant 0 : i32
    %dma_wait3A_95 = arith.constant 0 : i32
    %dma_wait3A_96 = tpu.memref_slice %arg4[%add3A_90, %dma_wait3A_94, %dma_wait3A_95] : memref<4096x200x128xf32, #tpu.memory_space<hbm>> -> memref<1x200x64xf32, #tpu.memory_space<hbm>>
    %dma_wait3A_97 = tpu.memref_squeeze %dma_wait3A_96 : memref<1x200x64xf32, #tpu.memory_space<hbm>> -> memref<200x64xf32, #tpu.memory_space<hbm>>
    %dma_wait3A_98 = arith.constant 0 : i32
    %dma_wait3A_99 = arith.constant 0 : i32
    %dma_wait3A_100 = tpu.memref_slice %arg4[%add3A_90, %dma_wait3A_98, %dma_wait3A_99] : memref<4096x200x128xf32, #tpu.memory_space<hbm>> -> memref<1x200x64xf32, #tpu.memory_space<hbm>>
    %dma_wait3A_101 = tpu.memref_squeeze %dma_wait3A_100 : memref<1x200x64xf32, #tpu.memory_space<hbm>> -> memref<200x64xf32, #tpu.memory_space<hbm>>
    %dma_wait3A_102 = arith.constant 200 : i32
    %dma_wait3A_103 = arith.constant 0 : i32
    %dma_wait3A_104 = tpu.memref_slice %arg9[%dma_wait3A_102, %dma_wait3A_103] : memref<400x64xf32, #tpu.memory_space<vmem>> -> memref<200x64xf32, #tpu.memory_space<vmem>>
    tpu.wait_dma2 semaphore(%arg17 : memref<!tpu.dma_semaphore, #tpu.memory_space<semaphore_mem>>) src(%dma_wait3A_104 : memref<200x64xf32, #tpu.memory_space<vmem>>) dst(%dma_wait3A_101 : memref<200x64xf32, #tpu.memory_space<hbm>>)
    %add3A_105 = arith.constant 122 : i32
    %add3A_106 = arith.addi %mul3A_2, %add3A_105 : i32
    %add3A_107 = arith.constant 0 : i32
    %add3A_108 = arith.addi %add3A_106, %add3A_107 : i32
    %dma_wait3A_109 = arith.constant 0 : i32
    %dma_wait3A_110 = arith.constant 0 : i32
    %dma_wait3A_111 = tpu.memref_slice %arg10[%dma_wait3A_109, %dma_wait3A_110] : memref<400x64xf32, #tpu.memory_space<vmem>> -> memref<200x64xf32, #tpu.memory_space<vmem>>
    %dma_wait3A_112 = arith.constant 0 : i32
    %dma_wait3A_113 = arith.constant 0 : i32
    %dma_wait3A_114 = tpu.memref_slice %arg4[%add3A_108, %dma_wait3A_112, %dma_wait3A_113] : memref<4096x200x128xf32, #tpu.memory_space<hbm>> -> memref<1x200x64xf32, #tpu.memory_space<hbm>>
    %dma_wait3A_115 = tpu.memref_squeeze %dma_wait3A_114 : memref<1x200x64xf32, #tpu.memory_space<hbm>> -> memref<200x64xf32, #tpu.memory_space<hbm>>
    %dma_wait3A_116 = arith.constant 0 : i32
    %dma_wait3A_117 = arith.constant 0 : i32
    %dma_wait3A_118 = tpu.memref_slice %arg4[%add3A_108, %dma_wait3A_116, %dma_wait3A_117] : memref<4096x200x128xf32, #tpu.memory_space<hbm>> -> memref<1x200x64xf32, #tpu.memory_space<hbm>>
    %dma_wait3A_119 = tpu.memref_squeeze %dma_wait3A_118 : memref<1x200x64xf32, #tpu.memory_space<hbm>> -> memref<200x64xf32, #tpu.memory_space<hbm>>
    %dma_wait3A_120 = arith.constant 0 : i32
    %dma_wait3A_121 = arith.constant 0 : i32
    %dma_wait3A_122 = tpu.memref_slice %arg10[%dma_wait3A_120, %dma_wait3A_121] : memref<400x64xf32, #tpu.memory_space<vmem>> -> memref<200x64xf32, #tpu.memory_space<vmem>>
    tpu.wait_dma2 semaphore(%arg18 : memref<!tpu.dma_semaphore, #tpu.memory_space<semaphore_mem>>) src(%dma_wait3A_122 : memref<200x64xf32, #tpu.memory_space<vmem>>) dst(%dma_wait3A_119 : memref<200x64xf32, #tpu.memory_space<hbm>>)
    %add3A_123 = arith.constant 122 : i32
    %add3A_124 = arith.addi %mul3A_2, %add3A_123 : i32
    %add3A_125 = arith.constant 1 : i32
    %add3A_126 = arith.addi %add3A_124, %add3A_125 : i32
    %dma_wait3A_127 = arith.constant 200 : i32
    %dma_wait3A_128 = arith.constant 0 : i32
    %dma_wait3A_129 = tpu.memref_slice %arg10[%dma_wait3A_127, %dma_wait3A_128] : memref<400x64xf32, #tpu.memory_space<vmem>> -> memref<200x64xf32, #tpu.memory_space<vmem>>
    %dma_wait3A_130 = arith.constant 0 : i32
    %dma_wait3A_131 = arith.constant 0 : i32
    %dma_wait3A_132 = tpu.memref_slice %arg4[%add3A_126, %dma_wait3A_130, %dma_wait3A_131] : memref<4096x200x128xf32, #tpu.memory_space<hbm>> -> memref<1x200x64xf32, #tpu.memory_space<hbm>>
    %dma_wait3A_133 = tpu.memref_squeeze %dma_wait3A_132 : memref<1x200x64xf32, #tpu.memory_space<hbm>> -> memref<200x64xf32, #tpu.memory_space<hbm>>
    %dma_wait3A_134 = arith.constant 0 : i32
    %dma_wait3A_135 = arith.constant 0 : i32
    %dma_wait3A_136 = tpu.memref_slice %arg4[%add3A_126, %dma_wait3A_134, %dma_wait3A_135] : memref<4096x200x128xf32, #tpu.memory_space<hbm>> -> memref<1x200x64xf32, #tpu.memory_space<hbm>>
    %dma_wait3A_137 = tpu.memref_squeeze %dma_wait3A_136 : memref<1x200x64xf32, #tpu.memory_space<hbm>> -> memref<200x64xf32, #tpu.memory_space<hbm>>
    %dma_wait3A_138 = arith.constant 200 : i32
    %dma_wait3A_139 = arith.constant 0 : i32
    %dma_wait3A_140 = tpu.memref_slice %arg10[%dma_wait3A_138, %dma_wait3A_139] : memref<400x64xf32, #tpu.memory_space<vmem>> -> memref<200x64xf32, #tpu.memory_space<vmem>>
    tpu.wait_dma2 semaphore(%arg18 : memref<!tpu.dma_semaphore, #tpu.memory_space<semaphore_mem>>) src(%dma_wait3A_140 : memref<200x64xf32, #tpu.memory_space<vmem>>) dst(%dma_wait3A_137 : memref<200x64xf32, #tpu.memory_space<hbm>>)
    %add3A_141 = arith.constant 124 : i32
    %add3A_142 = arith.addi %mul3A_2, %add3A_141 : i32
    %add3A_143 = arith.constant 0 : i32
    %add3A_144 = arith.addi %add3A_142, %add3A_143 : i32
    %dma_wait3A_145 = arith.constant 0 : i32
    %dma_wait3A_146 = arith.constant 0 : i32
    %dma_wait3A_147 = tpu.memref_slice %arg11[%dma_wait3A_145, %dma_wait3A_146] : memref<400x64xf32, #tpu.memory_space<vmem>> -> memref<200x64xf32, #tpu.memory_space<vmem>>
    %dma_wait3A_148 = arith.constant 0 : i32
    %dma_wait3A_149 = arith.constant 0 : i32
    %dma_wait3A_150 = tpu.memref_slice %arg4[%add3A_144, %dma_wait3A_148, %dma_wait3A_149] : memref<4096x200x128xf32, #tpu.memory_space<hbm>> -> memref<1x200x64xf32, #tpu.memory_space<hbm>>
    %dma_wait3A_151 = tpu.memref_squeeze %dma_wait3A_150 : memref<1x200x64xf32, #tpu.memory_space<hbm>> -> memref<200x64xf32, #tpu.memory_space<hbm>>
    %dma_wait3A_152 = arith.constant 0 : i32
    %dma_wait3A_153 = arith.constant 0 : i32
    %dma_wait3A_154 = tpu.memref_slice %arg4[%add3A_144, %dma_wait3A_152, %dma_wait3A_153] : memref<4096x200x128xf32, #tpu.memory_space<hbm>> -> memref<1x200x64xf32, #tpu.memory_space<hbm>>
    %dma_wait3A_155 = tpu.memref_squeeze %dma_wait3A_154 : memref<1x200x64xf32, #tpu.memory_space<hbm>> -> memref<200x64xf32, #tpu.memory_space<hbm>>
    %dma_wait3A_156 = arith.constant 0 : i32
    %dma_wait3A_157 = arith.constant 0 : i32
    %dma_wait3A_158 = tpu.memref_slice %arg11[%dma_wait3A_156, %dma_wait3A_157] : memref<400x64xf32, #tpu.memory_space<vmem>> -> memref<200x64xf32, #tpu.memory_space<vmem>>
    tpu.wait_dma2 semaphore(%arg19 : memref<!tpu.dma_semaphore, #tpu.memory_space<semaphore_mem>>) src(%dma_wait3A_158 : memref<200x64xf32, #tpu.memory_space<vmem>>) dst(%dma_wait3A_155 : memref<200x64xf32, #tpu.memory_space<hbm>>)
    %add3A_159 = arith.constant 124 : i32
    %add3A_160 = arith.addi %mul3A_2, %add3A_159 : i32
    %add3A_161 = arith.constant 1 : i32
    %add3A_162 = arith.addi %add3A_160, %add3A_161 : i32
    %dma_wait3A_163 = arith.constant 200 : i32
    %dma_wait3A_164 = arith.constant 0 : i32
    %dma_wait3A_165 = tpu.memref_slice %arg11[%dma_wait3A_163, %dma_wait3A_164] : memref<400x64xf32, #tpu.memory_space<vmem>> -> memref<200x64xf32, #tpu.memory_space<vmem>>
    %dma_wait3A_166 = arith.constant 0 : i32
    %dma_wait3A_167 = arith.constant 0 : i32
    %dma_wait3A_168 = tpu.memref_slice %arg4[%add3A_162, %dma_wait3A_166, %dma_wait3A_167] : memref<4096x200x128xf32, #tpu.memory_space<hbm>> -> memref<1x200x64xf32, #tpu.memory_space<hbm>>
    %dma_wait3A_169 = tpu.memref_squeeze %dma_wait3A_168 : memref<1x200x64xf32, #tpu.memory_space<hbm>> -> memref<200x64xf32, #tpu.memory_space<hbm>>
    %dma_wait3A_170 = arith.constant 0 : i32
    %dma_wait3A_171 = arith.constant 0 : i32
    %dma_wait3A_172 = tpu.memref_slice %arg4[%add3A_162, %dma_wait3A_170, %dma_wait3A_171] : memref<4096x200x128xf32, #tpu.memory_space<hbm>> -> memref<1x200x64xf32, #tpu.memory_space<hbm>>
    %dma_wait3A_173 = tpu.memref_squeeze %dma_wait3A_172 : memref<1x200x64xf32, #tpu.memory_space<hbm>> -> memref<200x64xf32, #tpu.memory_space<hbm>>
    %dma_wait3A_174 = arith.constant 200 : i32
    %dma_wait3A_175 = arith.constant 0 : i32
    %dma_wait3A_176 = tpu.memref_slice %arg11[%dma_wait3A_174, %dma_wait3A_175] : memref<400x64xf32, #tpu.memory_space<vmem>> -> memref<200x64xf32, #tpu.memory_space<vmem>>
    tpu.wait_dma2 semaphore(%arg19 : memref<!tpu.dma_semaphore, #tpu.memory_space<semaphore_mem>>) src(%dma_wait3A_176 : memref<200x64xf32, #tpu.memory_space<vmem>>) dst(%dma_wait3A_173 : memref<200x64xf32, #tpu.memory_space<hbm>>)
    %add3A_177 = arith.constant 126 : i32
    %add3A_178 = arith.addi %mul3A_2, %add3A_177 : i32
    %add3A_179 = arith.constant 0 : i32
    %add3A_180 = arith.addi %add3A_178, %add3A_179 : i32
    %dma_wait3A_181 = arith.constant 0 : i32
    %dma_wait3A_182 = arith.constant 0 : i32
    %dma_wait3A_183 = tpu.memref_slice %arg12[%dma_wait3A_181, %dma_wait3A_182] : memref<400x64xf32, #tpu.memory_space<vmem>> -> memref<200x64xf32, #tpu.memory_space<vmem>>
    %dma_wait3A_184 = arith.constant 0 : i32
    %dma_wait3A_185 = arith.constant 0 : i32
    %dma_wait3A_186 = tpu.memref_slice %arg4[%add3A_180, %dma_wait3A_184, %dma_wait3A_185] : memref<4096x200x128xf32, #tpu.memory_space<hbm>> -> memref<1x200x64xf32, #tpu.memory_space<hbm>>
    %dma_wait3A_187 = tpu.memref_squeeze %dma_wait3A_186 : memref<1x200x64xf32, #tpu.memory_space<hbm>> -> memref<200x64xf32, #tpu.memory_space<hbm>>
    %dma_wait3A_188 = arith.constant 0 : i32
    %dma_wait3A_189 = arith.constant 0 : i32
    %dma_wait3A_190 = tpu.memref_slice %arg4[%add3A_180, %dma_wait3A_188, %dma_wait3A_189] : memref<4096x200x128xf32, #tpu.memory_space<hbm>> -> memref<1x200x64xf32, #tpu.memory_space<hbm>>
    %dma_wait3A_191 = tpu.memref_squeeze %dma_wait3A_190 : memref<1x200x64xf32, #tpu.memory_space<hbm>> -> memref<200x64xf32, #tpu.memory_space<hbm>>
    %dma_wait3A_192 = arith.constant 0 : i32
    %dma_wait3A_193 = arith.constant 0 : i32
    %dma_wait3A_194 = tpu.memref_slice %arg12[%dma_wait3A_192, %dma_wait3A_193] : memref<400x64xf32, #tpu.memory_space<vmem>> -> memref<200x64xf32, #tpu.memory_space<vmem>>
    tpu.wait_dma2 semaphore(%arg20 : memref<!tpu.dma_semaphore, #tpu.memory_space<semaphore_mem>>) src(%dma_wait3A_194 : memref<200x64xf32, #tpu.memory_space<vmem>>) dst(%dma_wait3A_191 : memref<200x64xf32, #tpu.memory_space<hbm>>)
    %add3A_195 = arith.constant 126 : i32
    %add3A_196 = arith.addi %mul3A_2, %add3A_195 : i32
    %add3A_197 = arith.constant 1 : i32
    %add3A_198 = arith.addi %add3A_196, %add3A_197 : i32
    %dma_wait3A_199 = arith.constant 200 : i32
    %dma_wait3A_200 = arith.constant 0 : i32
    %dma_wait3A_201 = tpu.memref_slice %arg12[%dma_wait3A_199, %dma_wait3A_200] : memref<400x64xf32, #tpu.memory_space<vmem>> -> memref<200x64xf32, #tpu.memory_space<vmem>>
    %dma_wait3A_202 = arith.constant 0 : i32
    %dma_wait3A_203 = arith.constant 0 : i32
    %dma_wait3A_204 = tpu.memref_slice %arg4[%add3A_198, %dma_wait3A_202, %dma_wait3A_203] : memref<4096x200x128xf32, #tpu.memory_space<hbm>> -> memref<1x200x64xf32, #tpu.memory_space<hbm>>
    %dma_wait3A_205 = tpu.memref_squeeze %dma_wait3A_204 : memref<1x200x64xf32, #tpu.memory_space<hbm>> -> memref<200x64xf32, #tpu.memory_space<hbm>>
    %dma_wait3A_206 = arith.constant 0 : i32
    %dma_wait3A_207 = arith.constant 0 : i32
    %dma_wait3A_208 = tpu.memref_slice %arg4[%add3A_198, %dma_wait3A_206, %dma_wait3A_207] : memref<4096x200x128xf32, #tpu.memory_space<hbm>> -> memref<1x200x64xf32, #tpu.memory_space<hbm>>
    %dma_wait3A_209 = tpu.memref_squeeze %dma_wait3A_208 : memref<1x200x64xf32, #tpu.memory_space<hbm>> -> memref<200x64xf32, #tpu.memory_space<hbm>>
    %dma_wait3A_210 = arith.constant 200 : i32
    %dma_wait3A_211 = arith.constant 0 : i32
    %dma_wait3A_212 = tpu.memref_slice %arg12[%dma_wait3A_210, %dma_wait3A_211] : memref<400x64xf32, #tpu.memory_space<vmem>> -> memref<200x64xf32, #tpu.memory_space<vmem>>
    tpu.wait_dma2 semaphore(%arg20 : memref<!tpu.dma_semaphore, #tpu.memory_space<semaphore_mem>>) src(%dma_wait3A_212 : memref<200x64xf32, #tpu.memory_space<vmem>>) dst(%dma_wait3A_209 : memref<200x64xf32, #tpu.memory_space<hbm>>)
    return
  }
}

</mosaic_0001>

<sc_bundles>
// kernel: kernel.3.cloned.1.call-start
scs
__scs_entry_jumppad:
0x0: {  	(pc) =	sbr.rel $0x88, $3  }
0x1: {  	(tag) =	ssettag $0x0;
	lr =	simm.s32 $0x1  }
0x2: {  	[smem:$0x3F9F] =	sst lr;
	_ =	strace $0xD0000000  }
0x3: {  	_ = 	snop  }
0x4: {  	_ = 	snop  }
0x5: {  	_ = 	snop  }
0x6: {  	_ = 	snop  }
0x7: {  	_ = 	snop  }
__scs_overlays_trampoline_lowered:
0x8: {  	[smem:$0x3FAE] =	sst s0  }
0x9: {  	[smem:$0x3FAF] =	sst s1  }
0xa: {  	[smem:$0x3FB0] =	sst s2  }
0xb: {  	[smem:$0x3FB1] =	sst s3  }
0xc: {  	[smem:$0x3FB2] =	sst s4  }
0xd: {  	[smem:$0x3FB3] =	sst s5  }
0xe: {  	[smem:$0x3FB4] =	sst s6  }
0xf: {  	[smem:$0x3FB5] =	sst s7  }
0x10: {  	[smem:$0x3FB6] =	sst s8  }
0x11: {  	[smem:$0x3FB7] =	sst s9;
	s0 =	simm.s32 @!p0 $0x0  }
0x12: {  	s1 =	sld [smem:$0x3F9D];
	s0 =	simm.s32 @p0 $0x1  }
0x13: {  	[smem:$0x3FB8] =	sst s0;
	s0 =	simm.s32 @!p1 $0x0  }
0x14: {  	s2 =	sld [smem:$0x3F9C];
	s0 =	simm.s32 @p1 $0x1  }
0x15: {  	[smem:$0x3FB9] =	sst s0;
	s0 =	simm.s32 @!p2 $0x0  }
0x16: {  	s3 =	sld [smem:$0x3FDB];
	s0 =	simm.s32 @p2 $0x1  }
0x17: {  	s4 =	simm.s32 $0x1BF5;
	[smem:$0x3FBB] =	sst s0  }
0x18: {  	s0 =	sld [smem:$0x3F9E];
	_ =	swait.ge [sflag:s4], $0x0  }
0x19: {  	s7 =	sld [smem:$0x3F9F]  }
0x1a: {  	s8 =	sadd.s32 $0xFFFFE003, lr  }
0x1b: {  	s9 =	sadd.s32 $0xFFFFFEF7, lr;
	s5 =	simm.s32 $0xFFFFFFFF;
	p2 =	slt.u32 s8, $0xFFFFF086  }
0x1c: {  	p1 =	slt.u32 s9, $0xF7A;
	s5 =	simm.s32 @!p2 $0x0  }
0x1d: {  	s5 =	simm.s32 @p1 $0x1;
	p0 =	seq.s32 s7, s2  }
0x1e: {  	s7 =	smul.u32 @!p0 $0xF7A, s2;
	p2 =	seq.s32 @!p0 s5, $0x0  }
0x1f: {  	s9 =	smul.u32 $0xF7A, s1;
	s8 =	simm.s32 @!p0 $0x1BF5;
	p2 =	por !p2, p0  }
0x20: {  	[sflag:s8] =	ssyncset.s32 @!p0 $0xFFFFF086;
	s6 =	sadd.s32 @!p0 s3, s7;
	s7 =	simm.s32 @!p0 $0x108  }
0x21: {  	s3 =	sadd.s32 s3, s9;
	s6 =	sadd.s32 @!p0 $0x88, s6;
	s7 =	simm.s32 @p2 $0x1082  }
0x22: {  	[simem:s7], [sflag:s8] =	dma.local @!p0 [hbm:s6], $0xF7A  }
0x23: {  	s9 =	sor.u32 $0xD0000000, s2;
	s6 =	simm.s32 $0x108;
	_ =	swait.ge @!p0 [sflag:s8], $0x0  }
0x24: {  	s3 =	sadd.s32 $0x88, s3;
	s6 =	simm.s32 @!p1 $0x1082;
	[sflag:s4] =	ssyncset.s32 $0xFFFFF086  }
0x25: {  	[simem:s6], [sflag:s4] =	dma.local [hbm:s3], $0xF7A  }
0x26: {  	[smem:$0x3F9F] =	sst s1;
	(tag) =	ssettag s2;
	_ =	strace s9  }
0x27: {  	s1 =	sld [smem:$0x3FAF]  }
0x28: {  	s2 =	sld [smem:$0x3FB0]  }
0x29: {  	s4 =	sld [smem:$0x3FB2]  }
0x2a: {  	p0 =	seq.s32 s5, $0x0;
	s5 =	sld [smem:$0x3FB3]  }
0x2b: {  	s6 =	sld [smem:$0x3FB4]  }
0x2c: {  	s7 =	sld [smem:$0x3FB5]  }
0x2d: {  	s3 =	simm.s32 $0x108;
	s8 =	sld [smem:$0x3FB6]  }
0x2e: {  	s3 =	simm.s32 @!p0 $0x1082;
	s9 =	sld [smem:$0x3FB7]  }
0x2f: {  	lr =	sadd.s32 s0, s3;
	s0 =	sld [smem:$0x3FAE]  }
0x30: {  	s3 =	sld [smem:$0x3FB1]  }
0x31: {  	[smem:$0x3FBA] =	sst s10  }
0x32: {  	s10 =	sld [smem:$0x3FB8];
	_ =	sdelay $0x3  }
0x33: {  	p0 =	seq.s32 s10, $0x1;
	s10 =	sld [smem:$0x3FBA];
	_ =	sdelay $0x3  }
0x34: {  	[smem:$0x3FBA] =	sst s10  }
0x35: {  	s10 =	sld [smem:$0x3FB9];
	_ =	sdelay $0x3  }
0x36: {  	p1 =	seq.s32 s10, $0x1;
	s10 =	sld [smem:$0x3FBA];
	_ =	sdelay $0x3  }
0x37: {  	[smem:$0x3FBA] =	sst s10  }
0x38: {  	s10 =	sld [smem:$0x3FBB]  }
0x39: {  	_ = 	snop;
	(pc) =	sbr.ind lr, $3  }
0x3a: {  	_ = 	snop  }
0x3b: {  	_ = 	snop  }
0x3c: {  	p2 =	seq.s32 s10, $0x1;
	s10 =	sld [smem:$0x3FBA]  }
0x3d: {  	_ =	shalt  }
0x3e: {  	_ =	shalt  }
0x3f: {  	_ =	shalt  }
0x40: {  	_ =	shalt  }
0x41: {  	_ =	shalt  }
0x42: {  	_ =	shalt  }
0x43: {  	_ =	shalt  }
0x44: {  	_ =	shalt  }
0x45: {  	_ =	shalt  }
0x46: {  	_ =	shalt  }
0x47: {  	_ =	shalt  }
0x48: {  	_ =	shalt  }
0x49: {  	_ =	shalt  }
0x4a: {  	_ =	shalt  }
0x4b: {  	_ =	shalt  }
0x4c: {  	_ =	shalt  }
0x4d: {  	_ =	shalt  }
0x4e: {  	_ =	shalt  }
0x4f: {  	_ =	shalt  }
0x50: {  	_ =	shalt  }
0x51: {  	_ =	shalt  }
0x52: {  	_ =	shalt  }
0x53: {  	_ =	shalt  }
0x54: {  	_ =	shalt  }
0x55: {  	_ =	shalt  }
0x56: {  	_ =	shalt  }
0x57: {  	_ =	shalt  }
0x58: {  	_ =	shalt  }
0x59: {  	_ =	shalt  }
0x5a: {  	_ =	shalt  }
0x5b: {  	_ =	shalt  }
0x5c: {  	_ =	shalt  }
0x5d: {  	_ =	shalt  }
0x5e: {  	_ =	shalt  }
0x5f: {  	_ =	shalt  }
0x60: {  	_ =	shalt  }
0x61: {  	_ =	shalt  }
0x62: {  	_ =	shalt  }
0x63: {  	_ =	shalt  }
0x64: {  	_ =	shalt  }
0x65: {  	_ =	shalt  }
0x66: {  	_ =	shalt  }
0x67: {  	_ =	shalt  }
0x68: {  	_ =	shalt  }
0x69: {  	_ =	shalt  }
0x6a: {  	_ =	shalt  }
0x6b: {  	_ =	shalt  }
0x6c: {  	_ =	shalt  }
0x6d: {  	_ =	shalt  }
0x6e: {  	_ =	shalt  }
0x6f: {  	_ =	shalt  }
0x70: {  	_ =	shalt  }
0x71: {  	_ =	shalt  }
0x72: {  	_ =	shalt  }
0x73: {  	_ =	shalt  }
0x74: {  	_ =	shalt  }
0x75: {  	_ =	shalt  }
0x76: {  	_ =	shalt  }
0x77: {  	_ =	shalt  }
0x78: {  	_ =	shalt  }
0x79: {  	_ =	shalt  }
0x7a: {  	_ =	shalt  }
0x7b: {  	_ =	shalt  }
0x7c: {  	_ =	shalt  }
0x7d: {  	_ =	shalt  }
0x7e: {  	_ =	shalt  }
0x7f: {  	_ =	shalt  }
0x80: {  	_ =	shalt  }
0x81: {  	_ =	shalt  }
0x82: {  	_ =	shalt  }
0x83: {  	_ =	shalt  }
0x84: {  	_ =	shalt  }
0x85: {  	_ =	shalt  }
0x86: {  	_ =	shalt  }
0x87: {  	_ =	shalt  }
.Lfunc_end0:
.L_simem_size_0:
called_computation.1_lowered:
.L_overlay_start_0:
0x88: {  	s2 =	sld [smem:$0x3FD9]  }
0x89: {  	s3 =	sld [smem:$0x3FFE];
	_ =	sdelay $0x1  }
0x8a: {  	s1 =	srdreg.scid  }
0x8b: {  	s0 =	sand.u32 $0x1, s1  }
0x8c: {  	s17 =	sshll.u32 s0, $0xA;
	s2 =	sadd.s32 s3, s2  }
0x8d: {  	s2 =	sadd.s32 s2, s17  }
0x8e: {  	[smem:$0x3FC6] =	sst s2  }
0x8f: {  	_ = 	snop  }
0x90: {  	s2 =	sld [smem:$0x3FD0];
	(tm) =	ssettm $0x1  }
0x91: {  	s18 =	sld [smem:$0x3FFB];
	_ =	sdelay $0x3  }
0x92: {  	_ =	strace s18  }
0x93: {  	s3 =	sld [smem:$0x3FFC];
	_ =	sdelay $0x3  }
0x94: {  	_ =	strace s3  }
0x95: {  	s3 =	sld [smem:$0x3FFD];
	_ =	sdelay $0x3  }
0x96: {  	_ =	strace s3  }
0x97: {  	_ =	strace $0x8FFFFFFF  }
0x98: {  	s19 =	sld [smem:$0x3FDB];
	_ =	sdelay $0x1  }
0x99: {  	s4 =	simm.s32 $_scs_section_size  }
0x9a: {  	s5 =	simm.s32 $_size__tile_overlayer_lowered;
	s6 =	simm.s32 $_tile_overlayer_lowered  }
0x9b: {  	s22 =	simm.s32 $0x1BFF;
	s21 =	sshll.u32 s6, $0x1;
	s3 =	sadd.s32 s4, s19  }
0x9c: {  	s7 =	simm.s32 $0x0;
	s20 =	sshll.u32 s5, $0x1;
	s5 =	sadd.s32 s21, s3  }
0x9d: {  	[timem:s7], [sflag:s22] =	dma.local [hbm:s5], s20  }
0x9e: {  	_ =	swait.ge [sflag:s22], s20  }
0x9f: {  	s4 =	ssub.s32 $0x0, s20;
	[sflag:s22] =	ssyncset.done $0x0  }
0xa0: {  	[sflag:s22] =	ssyncadd.s32 s4;
	_ =	sdelay $0x1  }
0xa1: {  	s23 =	simm.s32 $0x1B8B  }
0xa2: {  	_ =	swait.ge [sflag:s23], $0x1  }
0xa3: {  	[sflag:s23] =	ssyncset.done $0x0  }
0xa4: {  	s25 =	simm.s32 $0x1B8E;
	s24 =	sld [smem:$0x3FFE];
	[sflag:s23] =	ssyncadd.s32 $0xFFFFFFFF  }
0xa5: {  	s26 =	simm.s32 $execute0_lowered;
	[smem:$0x3FD2] =	sst s25  }
0xa6: {  	s5 =	sshll.u32 s26, $0x1;
	_ =	strace $0x80000046;
	[dreg:$0x1] =	wrdreg $0xFFFFFFFF  }
0xa7: {  	s28 =	simm.s32 $_size_execute0_lowered;
	s3 =	sadd.s32 s3, s5;
	[dreg:$0x0] =	wrdreg $0x0  }
0xa8: {  	s5 =	sshll.u32 s28, $0x1;
	[dreg:$0x2] =	wrdreg s3  }
0xa9: {  	[dreg:$0x3] =	wrdreg s5  }
0xaa: {  	[dreg:$0x4] =	wrdreg $0xC0  }
0xab: {  	_ =	task [dreg:s7], $0x5FFFF  }
0xac: {  	[dreg:$0x1] =	wrdreg $0xFFFFFFFF  }
0xad: {  	[dreg:$0x0] =	wrdreg $0x60  }
0xae: {  	[dreg:$0x2] =	wrdreg s2  }
0xaf: {  	[dreg:$0x3] =	wrdreg s24  }
0xb0: {  	[dreg:$0x4] =	wrdreg $0x9  }
0xb1: {  	_ =	task.clear_ibuf [dreg:s7], $0x5FFFF;
	_ =	strace $0x90000046  }
0xb2: {  	s29 =	simm.s32 $0x9;
	_ =	strace $0x80000048  }
0xb3: {  	_ =	swait.ge [sflag:s29], $0x1  }
0xb4: {  	[sflag:s29] =	ssyncadd.s32 $0xFFFFFFFF  }
0xb5: {  	_ =	strace $0x90000048  }
0xb6: {  	_ =	sfence  }
0xb7: {  	s30 =	sld [smem:$0x0];
	_ =	sdelay $0x2  }
0xb8: {  	s31 =	sshll.u32 s1, $0xD;
	s1 =	sshrl.u32 s1, $0x2  }
0xb9: {  	s3 =	sand.u32 $0x4000, s31;
	s1 =	sadd.s32 s1, s30  }
0xba: {  	s0 =	sor.u32 s3, s0;
	s1 =	sshll.u32 s1, $0x11  }
0xbb: {  	s0 =	sor.u32 s1, s0  }
0xbc: {  	s0 =	sadd.s32 $0x8F2B, s0  }
0xbd: {  	[sflag:s0] =	ssyncadd.remote.s32 $0x1  }
0xbe: {  	_ =	sfence.sel $0xFFFF  }
0xbf: {  	[dreg:$0x0] =	wrdreg $0xFFFFFFFF;
	(pc) =	sbr.abs _section_cstart, $3  }
0xc0: {  	[dreg:$0x1] =	wrdreg $0xFFFFFFFF  }
0xc1: {  	_ =	task.clear_ibuf [dreg:s7], $0x2FFFF;
	_ =	strace $0x9FFFFFFF  }
0xc2: {  	(tm) =	ssettm $0x7FFFFFFF  }
0xc3: {  	_ =	shalt  }
tec
execute0_lowered:
.L_overlay_start_1:
0x0: {  	(tag) =	ssettag $0x1  }
0x1: {  	s9 =	stileid.u32  }
0x2: {  	s0 =	rddreg [dreg:$0x0];
	s26 =	smul.u32 $0x640000, s9  }
0x3: {  	s2 =	srdreg.scid;
	s12 =	smul.u32 $0x1900, s9  }
0x4: {  	s1 =	rddreg [dreg:$0x1];
	s2 =	sand.u32 $0x1, s2;
	s15 =	smul.u32 $0xC8000, s9  }
0x5: {  	s3 =	simm.s32 $0x0;
	s28 =	simm.s32 $0x13240;
	s30 =	smul.u32 $0x320000, s2  }
0x6: {  	s29 =	simm.s32 $0xB;
	s22 =	sshll.u32 s9, $0x1;
	s13 =	smul.u32 $0xC80, s2  }
0x7: {  	s5 =	sor.u32 s2, s22;
	s6 =	ssub.s32 $0x2, s2;
	s2 =	smul.u32 $0x64000, s2  }
0x8: {  	s31 =	simm.s32 $0x7;
	[smem:$0x7FF] =	sst s3;
	s7 =	smul.u32 $0xC80, s5  }
0x9: {  	s3 =	sadd.s32 $0xF42E00, s1;
	s4 =	sadd.s32 $0xA00, s1;
	s8 =	smul.u32 $0x6400, s5  }
0xa: {  	_ =	strace $0x80000047;
	s23 =	sshrl.u32 s6, $0x1;
	s5 =	smul.u32 $0x320000, s5  }
0xb: {  	s16 =	sadd.s32 s15, s4;
	s15 =	simm.s32 $0x320;
	s1 =	ssub.s32 s6, s23  }
0xc: {  	s10 =	sadd.s32 s0, s7;
	s25 =	sshrl.u32 s8, $0x3;
	s5 =	sshrl.u32 s5, $0x3  }
0xd: {  	s7 =	sadd.s32 s30, s26;
	s1 =	smax.u32 s1, $0x1;
	s26 =	simm.s32 $0x9C40  }
0xe: {  	s30 =	simm.s32 $0x10040;
	s24 =	sadd.s32 $0x32, s10;
	s6 =	sadd.s32 s0, s25  }
0xf: {  	[dreg:$0xb] =	wrdreg s10;
	s10 =	sadd.s32 $0x64, s10;
	s5 =	sadd.s32 s4, s5  }
0x10: {  	s8 =	sor.u32 $0x1F400, s7;
	[dreg:$0x11] =	wrdreg s1;
	s0 =	sadd.s32 s12, s0  }
0x11: {  	s17 =	sor.u32 $0x12C00, s7;
	s19 =	sor.u32 $0x6400, s7;
	[dreg:$0x9] =	wrdreg s26  }
0x12: {  	s23 =	sadd.s32 $0xFFFF9C00, s7;
	s25 =	simm.s32 $0x3840;
	[dreg:$0xa] =	wrdreg s30  }
0x13: {  	s26 =	simm.s32 $0x4;
	s7 =	simm.s32 $0x0;
	[dreg:$0xc] =	wrdreg s24  }
0x14: {  	[dreg:$0xd] =	wrdreg s10;
	s6 =	sadd.s32 $0x96, s6;
	s11 =	sadd.s32 $0x62700, s5  }
0x15: {  	s5 =	sadd.s32 $0x63380, s5;
	s14 =	sshrl.u32 s8, $0x3;
	[dreg:$0x12] =	wrdreg s23  }
0x16: {  	s18 =	sshrl.u32 s17, $0x3;
	s21 =	sshrl.u32 s19, $0x3;
	[dreg:$0x8] =	wrdreg s25  }
0x17: {  	s0 =	sadd.s32 s13, s0;
	s17 =	simm.s32 $0x1;
	[dreg:$0xe] =	wrdreg s6  }
0x18: {  	s19 =	simm.s32 $0x6A40;
	s24 =	simm.s32 $0x640;
	[dreg:$0xf] =	wrdreg s11  }
0x19: {  	s23 =	simm.s32 $0x3;
	s25 =	simm.s32 $0xA;
	[dreg:$0x10] =	wrdreg s5  }
0x1a: {  	s1 =	sadd.s32 s14, s4;
	s20 =	sadd.s32 s18, s4;
	s22 =	sadd.s32 s21, s4  }
0x1b: {  	s12 =	sadd.s32 $0x12C, s0;
	s14 =	simm.s32 $0x190;
	[dreg:$0x7] =	wrdreg s24  }
0x1c: {  	s18 =	simm.s32 $0x2;
	s21 =	simm.s32 $0x40;
	[dreg:$0x3] =	wrdreg s1  }
0x1d: {  	s24 =	simm.s32 $0xCE40;
	s6 =	simm.s32 $0x8;
	[dreg:$0x5] =	wrdreg s20  }
0x1e: {  	s1 =	sadd.s32 s2, s16;
	[dreg:$0x6] =	wrdreg s22;
	s16 =	simm.s32 $0x4B0  }
0x1f: {  	s20 =	simm.s32 $0x9;
	s22 =	simm.s32 $0x80;
	[dreg:$0x4] =	wrdreg s1  }
.LBB2_1:
0x20: {  	s0 =	simm.s32 $0x0;
	s1 =	rddreg [dreg:$0xb]  }
0x21: {  	[tilespmem:s0], [sflag:$0x1] =	stream.linear.gather [hbm4b:s1+s0], $0x190, $0x38;
	[tilespmem:$0x19640] =	vst v63  }
0x22: {  	s5 =	rddreg [dreg:$0xc]  }
0x23: {  	[tilespmem:s14], [sflag:$0x2] =	stream.linear.gather [hbm4b:s5+s0], $0x190, $0x38;
	[tilespmem:$0x19640] =	vst v63  }
0x24: {  	s8 =	rddreg [dreg:$0xd]  }
0x25: {  	[tilespmem:s15], [sflag:$0x3] =	stream.linear.gather [hbm4b:s8+s0], $0x190, $0x38;
	[tilespmem:$0x19640] =	vst v63  }
0x26: {  	s9 =	rddreg [dreg:$0xe]  }
0x27: {  	[tilespmem:s16], [sflag:$0x4] =	stream.linear.gather [hbm4b:s9+s0], $0x190, $0x38;
	[tilespmem:$0x19640] =	vst v63  }
0x28: {  	_ =	swait.ge [sflag:s17], $0x190  }
0x29: {  	p0 =	por $0x0, $0x0;
	[sflag:s17] =	ssyncset.done $0x0  }
0x2a: {  	s2 =	simm.s32 @p0 $0x5;
	[sflag:s17] =	ssyncadd.s32 $0xFFFFFE70  }
0x2b: {  	_ =	swait.ge @p0 [sflag:s2], $0x3200  }
0x2c: {  	[sflag:s2] =	ssyncset.done @p0 $0x0  }
0x2d: {  	[sflag:s2] =	ssyncadd.s32 @p0 $0xFFFFCE00  }
0x2e: {  	s10 =	simm.s32 @p0 $0x0;
	s0 =	rddreg [dreg:$0x12];
	_ =	swait.ge @p0 [sflag:s2], $0x3200  }
0x2f: {  	s8 =	simm.s32 @p0 $0x640;
	s9 =	simm.s32 @p0 $0xC;
	[sflag:s2] =	ssyncset.done @p0 $0x0  }
0x30: {  	s5 =	sadd.s32 @p0 $0xFFFF9C00, s0;
	[sflag:s2] =	ssyncadd.s32 @p0 $0xFFFFCE00;
	s2 =	simm.s32 @p0 $0x190  }
0x31: {  	[tilespmem:s8], [sflag:$0x9] =	stream.indirect.gather @p0 [hbm4b:s3+s2], $0x40, s10, s2, $0xb8;
	[tilespmem:$0x19640] =	vst v63  }
0x32: {  	s2 =	sshrl.u32 @p0 s5, $0x3;
	_ =	swait.ge @p0 [sflag:s9], $0x6400  }
0x33: {  	s5 =	sshrl.u32 @p0 s0, $0x3;
	s8 =	sadd.s32 @p0 $0xFFFFFF6A, s12;
	[sflag:s9] =	ssyncset.done @p0 $0x0  }
0x34: {  	s2 =	sadd.s32 @p0 s4, s2;
	[sflag:s9] =	ssyncadd.s32 @p0 $0xFFFF9C00;
	s9 =	simm.s32 @p0 $0x4B0  }
0x35: {  	[tilespmem:s9], [sflag:$0x4] =	stream.linear.gather @p0 [hbm4b:s8+s10], $0x190, $0x38;
	[tilespmem:$0x19640] =	vst v63  }
0x36: {  	s8 =	simm.s32 @p0 $0x40;
	s9 =	simm.s32 @p0 $0x80;
	s10 =	simm.s32 @p0 $0x13240  }
0x37: {  	[hbm4b:s2+s8] =	stream.strided.scatter @p0 [tilespmem:s10], [sflag:$0x8], $0x3200, s9, s8, $0x38;
	[tilespmem:$0x19640] =	vst v63  }
0x38: {  	s2 =	sadd.s32 @p0 s4, s5;
	s5 =	simm.s32 @p0 $0x16440  }
0x39: {  	[hbm4b:s2+s8] =	stream.strided.scatter @p0 [tilespmem:s5], [sflag:$0x8], $0x3200, s9, s8, $0x38;
	[tilespmem:$0x19640] =	vst v63  }
0x3a: {  	s2 =	simm.s32 @!p0 $0x190;
	s5 =	simm.s32 @!p0 $0x0;
	s8 =	simm.s32 @!p0 $0x640  }
0x3b: {  	[tilespmem:s8], [sflag:$0x9] =	stream.indirect.gather @!p0 [hbm4b:s3+s2], $0x40, s5, s2, $0xb8;
	[tilespmem:$0x19640] =	vst v63  }
0x3c: {  	_ =	swait.ge [sflag:s18], $0x190  }
0x3d: {  	p0 =	por $0x1, $0x1;
	[sflag:s18] =	ssyncset.done $0x0  }
0x3e: {  	s2 =	simm.s32 @!p0 $0x6;
	[sflag:s18] =	ssyncadd.s32 $0xFFFFFE70  }
0x3f: {  	_ =	swait.ge @!p0 [sflag:s2], $0x3200  }
0x40: {  	[sflag:s2] =	ssyncset.done @!p0 $0x0  }
0x41: {  	[sflag:s2] =	ssyncadd.s32 @!p0 $0xFFFFCE00  }
0x42: {  	_ =	swait.ge @!p0 [sflag:s2], $0x3200  }
0x43: {  	[sflag:s2] =	ssyncset.done @!p0 $0x0  }
0x44: {  	[sflag:s2] =	ssyncadd.s32 @!p0 $0xFFFFCE00  }
0x45: {  	[tilespmem:s19], [sflag:$0xA] =	stream.indirect.gather [hbm4b:s3+s14], $0x40, s14, s14, $0xb8;
	[tilespmem:$0x19640] =	vst v63  }
0x46: {  	p1 =	por $0x0, $0x0;
	_ =	swait.ge [sflag:s20], $0x6400  }
0x47: {  	s9 =	simm.s32 @!p1 $0x0;
	[sflag:s20] =	ssyncset.done $0x0;
	s10 =	rddreg [dreg:$0x7]  }
0x48: {  	s8 =	sadd.s32 @!p1 $0xFFFFFF9C, s12;
	s11 =	rddreg [dreg:$0x4];
	[sflag:s20] =	ssyncadd.s32 $0xFFFF9C00  }
0x49: {  	[tilespmem:s9], [sflag:$0x1] =	stream.linear.gather @!p1 [hbm4b:s8+s9], $0x190, $0x38;
	[tilespmem:$0x19640] =	vst v63  }
0x4a: {  	s13 =	rddreg [dreg:$0x6];
	s5 =	sadd.s32 $0x0, s11  }
0x4b: {  	[hbm4b:s5+s21] =	stream.strided.scatter [tilespmem:s10], [sflag:$0x5], $0x3200, s22, s21, $0x38;
	[tilespmem:$0x19640] =	vst v63  }
0x4c: {  	s1 =	rddreg [dreg:$0x8];
	s10 =	sadd.s32 $0x0, s13  }
0x4d: {  	[hbm4b:s10+s21] =	stream.strided.scatter [tilespmem:s1], [sflag:$0x5], $0x3200, s22, s21, $0x38;
	[tilespmem:$0x19640] =	vst v63  }
0x4e: {  	_ =	swait.ge [sflag:s23], $0x190  }
0x4f: {  	[sflag:s23] =	ssyncset.done $0x0  }
0x50: {  	s2 =	simm.s32 @!p0 $0x7;
	[sflag:s23] =	ssyncadd.s32 $0xFFFFFE70  }
0x51: {  	_ =	swait.ge @!p0 [sflag:s2], $0x3200  }
0x52: {  	[sflag:s2] =	ssyncset.done @!p0 $0x0  }
0x53: {  	[sflag:s2] =	ssyncadd.s32 @!p0 $0xFFFFCE00  }
0x54: {  	_ =	swait.ge @!p0 [sflag:s2], $0x3200  }
0x55: {  	[sflag:s2] =	ssyncset.done @!p0 $0x0  }
0x56: {  	[sflag:s2] =	ssyncadd.s32 @!p0 $0xFFFFCE00  }
0x57: {  	[tilespmem:s24], [sflag:$0xB] =	stream.indirect.gather [hbm4b:s3+s14], $0x40, s15, s14, $0xb8;
	[tilespmem:$0x19640] =	vst v63  }
0x58: {  	_ =	swait.ge [sflag:s25], $0x6400  }
0x59: {  	[sflag:s25] =	ssyncset.done $0x0  }
0x5a: {  	s8 =	simm.s32 @!p1 $0x190;
	s2 =	sadd.s32 @!p1 $0xFFFFFFCE, s12;
	[sflag:s25] =	ssyncadd.s32 $0xFFFF9C00  }
0x5b: {  	[tilespmem:s8], [sflag:$0x2] =	stream.linear.gather @!p1 [hbm4b:s2+s9], $0x190, $0x38;
	[tilespmem:$0x19640] =	vst v63  }
0x5c: {  	s1 =	sadd.s32 $0x1900, s5;
	s11 =	rddreg [dreg:$0x5]  }
0x5d: {  	[hbm4b:s1+s21] =	stream.strided.scatter [tilespmem:s19], [sflag:$0x6], $0x3200, s22, s21, $0x38;
	[tilespmem:$0x19640] =	vst v63  }
0x5e: {  	s13 =	rddreg [dreg:$0x9];
	s11 =	sadd.s32 $0x0, s11  }
0x5f: {  	[hbm4b:s11+s21] =	stream.strided.scatter [tilespmem:s13], [sflag:$0x6], $0x3200, s22, s21, $0x38;
	[tilespmem:$0x19640] =	vst v63  }
0x60: {  	_ =	swait.ge [sflag:s26], $0x190  }
0x61: {  	[sflag:s26] =	ssyncset.done $0x0  }
0x62: {  	s2 =	simm.s32 @!p0 $0x8;
	[sflag:s26] =	ssyncadd.s32 $0xFFFFFE70  }
0x63: {  	_ =	swait.ge @!p0 [sflag:s2], $0x3200  }
0x64: {  	[sflag:s2] =	ssyncset.done @!p0 $0x0  }
0x65: {  	[sflag:s2] =	ssyncadd.s32 @!p0 $0xFFFFCE00  }
0x66: {  	_ =	swait.ge @!p0 [sflag:s2], $0x3200  }
0x67: {  	[sflag:s2] =	ssyncset.done @!p0 $0x0  }
0x68: {  	[sflag:s2] =	ssyncadd.s32 @!p0 $0xFFFFCE00  }
0x69: {  	[tilespmem:s28], [sflag:$0xC] =	stream.indirect.gather [hbm4b:s3+s14], $0x40, s16, s14, $0xb8;
	[tilespmem:$0x19640] =	vst v63  }
0x6a: {  	s10 =	sadd.s32 $0x32000, s0;
	_ =	swait.ge [sflag:s29], $0x6400  }
0x6b: {  	s8 =	simm.s32 $0x6400;
	[sflag:s29] =	ssyncset.done $0x0;
	s13 =	rddreg [dreg:$0x3]  }
0x6c: {  	s2 =	simm.s32 @!p1 $0x320;
	s30 =	rddreg [dreg:$0xa];
	[sflag:s29] =	ssyncadd.s32 $0xFFFF9C00  }
0x6d: {  	[tilespmem:s2], [sflag:$0x3] =	stream.linear.gather @!p1 [hbm4b:s12+s9], $0x190, $0x38;
	[tilespmem:$0x19640] =	vst v63  }
0x6e: {  	s2 =	sadd.s32 $0x3200, s5;
	s5 =	sadd.s32 $0x0, s13;
	s9 =	sadd.s32 $0xC8, s12  }
.LBB2_2:
0x6f: {  	[hbm4b:s2+s21] =	stream.strided.scatter [tilespmem:s24], [sflag:$0x7], $0x3200, s22, s21, $0x38;
	[tilespmem:$0x19640] =	vst v63  }
0x70: {  	_ = 	snop  }
0x71: {  	[hbm4b:s5+s21] =	stream.strided.scatter [tilespmem:s30], [sflag:$0x7], $0x3200, s22, s21, $0x38;
	[tilespmem:$0x19640] =	vst v63  }
0x72: {  	s11 =	smov.u32 s8;
	_ =	swait.ge [sflag:s17], $0x190  }
0x73: {  	p1 =	sne.s32 s11, $0x0;
	[sflag:s17] =	ssyncset.done $0x0  }
0x74: {  	s2 =	simm.s32 @p1 $0x5;
	[sflag:s17] =	ssyncadd.s32 $0xFFFFFE70  }
0x75: {  	_ =	swait.ge @p1 [sflag:s2], $0x3200  }
0x76: {  	[sflag:s2] =	ssyncset.done @p1 $0x0  }
0x77: {  	[sflag:s2] =	ssyncadd.s32 @p1 $0xFFFFCE00  }
0x78: {  	s5 =	sadd.s32 @p1 $0xFFFF9C00, s10;
	_ =	swait.ge @p1 [sflag:s2], $0x3200  }
0x79: {  	s13 =	simm.s32 @p1 $0x640;
	s0 =	simm.s32 @p1 $0xC;
	[sflag:s2] =	ssyncset.done @p1 $0x0  }
0x7a: {  	s1 =	simm.s32 @p1 $0x0;
	[sflag:s2] =	ssyncadd.s32 @p1 $0xFFFFCE00;
	s2 =	simm.s32 @p1 $0x190  }
0x7b: {  	[tilespmem:s13], [sflag:$0x9] =	stream.indirect.gather @p1 [hbm4b:s3+s2], $0x40, s1, s2, $0xb8;
	[tilespmem:$0x19640] =	vst v63  }
0x7c: {  	s5 =	sshrl.u32 @p1 s5, $0x3;
	_ =	swait.ge @p1 [sflag:s0], $0x6400  }
0x7d: {  	s30 =	sshrl.u32 @p1 s10, $0x3;
	s5 =	sadd.s32 @p1 s4, s5;
	[sflag:s0] =	ssyncset.done @p1 $0x0  }
0x7e: {  	s2 =	simm.s32 @p1 $0x4B0;
	[sflag:s0] =	ssyncadd.s32 @p1 $0xFFFF9C00;
	s0 =	sadd.s32 @p1 $0xFFFFFF6A, s9  }
0x7f: {  	[tilespmem:s2], [sflag:$0x4] =	stream.linear.gather @p1 [hbm4b:s0+s1], $0x190, $0x38;
	[tilespmem:$0x19640] =	vst v63  }
0x80: {  	s0 =	simm.s32 @p1 $0x40;
	s1 =	simm.s32 @p1 $0x80;
	s2 =	simm.s32 @p1 $0x13240  }
0x81: {  	[hbm4b:s5+s0] =	stream.strided.scatter @p1 [tilespmem:s2], [sflag:$0x8], $0x3200, s1, s0, $0x38;
	[tilespmem:$0x19640] =	vst v63  }
0x82: {  	s30 =	sadd.s32 @p1 s4, s30;
	s2 =	simm.s32 @p1 $0x16440  }
0x83: {  	[hbm4b:s30+s0] =	stream.strided.scatter @p1 [tilespmem:s2], [sflag:$0x8], $0x3200, s1, s0, $0x38;
	[tilespmem:$0x19640] =	vst v63  }
0x84: {  	s0 =	simm.s32 @!p1 $0x190;
	s1 =	simm.s32 @!p1 $0x0;
	s2 =	simm.s32 @!p1 $0x640  }
0x85: {  	[tilespmem:s2], [sflag:$0x9] =	stream.indirect.gather @!p1 [hbm4b:s3+s0], $0x40, s1, s0, $0xb8;
	[tilespmem:$0x19640] =	vst v63  }
0x86: {  	_ =	swait.ge [sflag:s18], $0x190  }
0x87: {  	p1 =	seq.s32 s11, $0x0;
	[sflag:s18] =	ssyncset.done $0x0  }
0x88: {  	s0 =	simm.s32 @!p1 $0x6;
	[sflag:s18] =	ssyncadd.s32 $0xFFFFFE70  }
0x89: {  	_ =	swait.ge @!p1 [sflag:s0], $0x3200  }
0x8a: {  	[sflag:s0] =	ssyncset.done @!p1 $0x0  }
0x8b: {  	[sflag:s0] =	ssyncadd.s32 @!p1 $0xFFFFCE00  }
0x8c: {  	_ =	swait.ge @!p1 [sflag:s0], $0x3200  }
0x8d: {  	[sflag:s0] =	ssyncset.done @!p1 $0x0  }
0x8e: {  	[sflag:s0] =	ssyncadd.s32 @!p1 $0xFFFFCE00  }
0x8f: {  	[tilespmem:s19], [sflag:$0xA] =	stream.indirect.gather [hbm4b:s3+s14], $0x40, s14, s14, $0xb8;
	[tilespmem:$0x19640] =	vst v63  }
0x90: {  	p2 =	seq.s32 s11, $0x5DC00;
	_ =	swait.ge [sflag:s20], $0x6400  }
0x91: {  	s5 =	simm.s32 @!p2 $0x0;
	[sflag:s20] =	ssyncset.done $0x0;
	s0 =	rddreg [dreg:$0x7]  }
0x92: {  	s2 =	sadd.s32 @!p2 $0xFFFFFF9C, s9;
	s1 =	rddreg [dreg:$0x4];
	[sflag:s20] =	ssyncadd.s32 $0xFFFF9C00  }
0x93: {  	[tilespmem:s5], [sflag:$0x1] =	stream.linear.gather @!p2 [hbm4b:s2+s5], $0x190, $0x38;
	[tilespmem:$0x19640] =	vst v63  }
0x94: {  	s13 =	rddreg [dreg:$0x6];
	s30 =	sadd.s32 s11, s1  }
0x95: {  	[hbm4b:s30+s21] =	stream.strided.scatter [tilespmem:s0], [sflag:$0x5], $0x3200, s22, s21, $0x38;
	[tilespmem:$0x19640] =	vst v63  }
0x96: {  	s13 =	sadd.s32 s11, s13;
	s2 =	rddreg [dreg:$0x8]  }
0x97: {  	[hbm4b:s13+s21] =	stream.strided.scatter [tilespmem:s2], [sflag:$0x5], $0x3200, s22, s21, $0x38;
	[tilespmem:$0x19640] =	vst v63  }
0x98: {  	_ =	swait.ge [sflag:s23], $0x190  }
0x99: {  	[sflag:s23] =	ssyncset.done $0x0  }
0x9a: {  	s0 =	simm.s32 @!p1 $0x7;
	[sflag:s23] =	ssyncadd.s32 $0xFFFFFE70  }
0x9b: {  	_ =	swait.ge @!p1 [sflag:s0], $0x3200  }
0x9c: {  	[sflag:s0] =	ssyncset.done @!p1 $0x0  }
0x9d: {  	[sflag:s0] =	ssyncadd.s32 @!p1 $0xFFFFCE00  }
0x9e: {  	_ =	swait.ge @!p1 [sflag:s0], $0x3200  }
0x9f: {  	[sflag:s0] =	ssyncset.done @!p1 $0x0  }
0xa0: {  	[sflag:s0] =	ssyncadd.s32 @!p1 $0xFFFFCE00  }
0xa1: {  	[tilespmem:s24], [sflag:$0xB] =	stream.indirect.gather [hbm4b:s3+s14], $0x40, s15, s14, $0xb8;
	[tilespmem:$0x19640] =	vst v63  }
0xa2: {  	_ =	swait.ge [sflag:s25], $0x6400  }
0xa3: {  	[sflag:s25] =	ssyncset.done $0x0  }
0xa4: {  	s1 =	simm.s32 @!p2 $0x190;
	s0 =	sadd.s32 @!p2 $0xFFFFFFCE, s9;
	[sflag:s25] =	ssyncadd.s32 $0xFFFF9C00  }
0xa5: {  	[tilespmem:s1], [sflag:$0x2] =	stream.linear.gather @!p2 [hbm4b:s0+s5], $0x190, $0x38;
	[tilespmem:$0x19640] =	vst v63  }
0xa6: {  	s13 =	rddreg [dreg:$0x5];
	s1 =	sadd.s32 $0x1900, s30  }
0xa7: {  	[hbm4b:s1+s21] =	stream.strided.scatter [tilespmem:s19], [sflag:$0x6], $0x3200, s22, s21, $0x38;
	[tilespmem:$0x19640] =	vst v63  }
0xa8: {  	s2 =	rddreg [dreg:$0x9];
	s1 =	sadd.s32 s11, s13  }
0xa9: {  	[hbm4b:s1+s21] =	stream.strided.scatter [tilespmem:s2], [sflag:$0x6], $0x3200, s22, s21, $0x38;
	[tilespmem:$0x19640] =	vst v63  }
0xaa: {  	_ =	swait.ge [sflag:s26], $0x190  }
0xab: {  	[sflag:s26] =	ssyncset.done $0x0  }
0xac: {  	s0 =	simm.s32 @!p1 $0x8;
	[sflag:s26] =	ssyncadd.s32 $0xFFFFFE70  }
0xad: {  	_ =	swait.ge @!p1 [sflag:s0], $0x3200  }
0xae: {  	[sflag:s0] =	ssyncset.done @!p1 $0x0  }
0xaf: {  	[sflag:s0] =	ssyncadd.s32 @!p1 $0xFFFFCE00  }
0xb0: {  	_ =	swait.ge @!p1 [sflag:s0], $0x3200  }
0xb1: {  	s8 =	sadd.s32 $0x6400, s8;
	[sflag:s0] =	ssyncset.done @!p1 $0x0  }
0xb2: {  	p0 =	sne.s32 s8, $0x64000;
	[sflag:s0] =	ssyncadd.s32 @!p1 $0xFFFFCE00  }
0xb3: {  	[tilespmem:s28], [sflag:$0xC] =	stream.indirect.gather [hbm4b:s3+s14], $0x40, s16, s14, $0xb8;
	[tilespmem:$0x19640] =	vst v63  }
.Ltmp0:
0xb4: {  	_ =	swait.ge [sflag:s29], $0x6400;
	(pc) =	sbr.rel @p0 .LBB2_2-.Ltmp0, $4  }
0xb5: {  	s10 =	sadd.s32 $0x32000, s10;
	s2 =	sadd.s32 $0x3200, s30;
	[sflag:s29] =	ssyncset.done $0x0  }
0xb6: {  	s0 =	simm.s32 @!p2 $0x320;
	s13 =	rddreg [dreg:$0x3];
	[sflag:s29] =	ssyncadd.s32 $0xFFFF9C00  }
0xb7: {  	[tilespmem:s0], [sflag:$0x3] =	stream.linear.gather @!p2 [hbm4b:s9+s5], $0x190, $0x38;
	[tilespmem:$0x19640] =	vst v63  }
0xb8: {  	s30 =	rddreg [dreg:$0xa];
	s5 =	sadd.s32 s11, s13;
	s9 =	sadd.s32 $0xC8, s9  }
0xb9: {  	[hbm4b:s2+s21] =	stream.strided.scatter [tilespmem:s24], [sflag:$0x7], $0x3200, s22, s21, $0x38;
	[tilespmem:$0x19640] =	vst v63  }
0xba: {  	s0 =	simm.s32 $0xC  }
0xbb: {  	[hbm4b:s5+s21] =	stream.strided.scatter [tilespmem:s30], [sflag:$0x7], $0x3200, s22, s21, $0x38;
	[tilespmem:$0x19640] =	vst v63  }
0xbc: {  	_ =	swait.ge [sflag:s0], $0x6400  }
0xbd: {  	[sflag:s0] =	ssyncset.done $0x0  }
0xbe: {  	s9 =	rddreg [dreg:$0xf];
	[sflag:s0] =	ssyncadd.s32 $0xFFFF9C00  }
0xbf: {  	[hbm4b:s9+s21] =	stream.strided.scatter [tilespmem:s28], [sflag:$0x8], $0x3200, s22, s21, $0x38;
	[tilespmem:$0x19640] =	vst v63  }
0xc0: {  	s1 =	simm.s32 $0x16440;
	s11 =	simm.s32 $0x5;
	s10 =	rddreg [dreg:$0x10]  }
0xc1: {  	[hbm4b:s10+s21] =	stream.strided.scatter [tilespmem:s1], [sflag:$0x8], $0x3200, s22, s21, $0x38;
	[tilespmem:$0x19640] =	vst v63  }
0xc2: {  	_ =	swait.ge [sflag:s11], $0x3200  }
0xc3: {  	[sflag:s11] =	ssyncset.done $0x0  }
0xc4: {  	[sflag:s11] =	ssyncadd.s32 $0xFFFFCE00  }
0xc5: {  	_ =	swait.ge [sflag:s11], $0x3200  }
0xc6: {  	[sflag:s11] =	ssyncset.done $0x0  }
0xc7: {  	s13 =	simm.s32 $0x6;
	[sflag:s11] =	ssyncadd.s32 $0xFFFFCE00  }
0xc8: {  	_ =	swait.ge [sflag:s13], $0x3200  }
0xc9: {  	[sflag:s13] =	ssyncset.done $0x0  }
0xca: {  	[sflag:s13] =	ssyncadd.s32 $0xFFFFCE00  }
0xcb: {  	_ =	swait.ge [sflag:s13], $0x3200  }
0xcc: {  	[sflag:s13] =	ssyncset.done $0x0  }
0xcd: {  	[sflag:s13] =	ssyncadd.s32 $0xFFFFCE00  }
0xce: {  	_ =	swait.ge [sflag:s31], $0x3200  }
0xcf: {  	[sflag:s31] =	ssyncset.done $0x0  }
0xd0: {  	[sflag:s31] =	ssyncadd.s32 $0xFFFFCE00  }
0xd1: {  	_ =	swait.ge [sflag:s31], $0x3200  }
0xd2: {  	[sflag:s31] =	ssyncset.done $0x0  }
0xd3: {  	[sflag:s31] =	ssyncadd.s32 $0xFFFFCE00  }
0xd4: {  	_ =	swait.ge [sflag:s6], $0x3200  }
0xd5: {  	[sflag:s6] =	ssyncset.done $0x0  }
0xd6: {  	[sflag:s6] =	ssyncadd.s32 $0xFFFFCE00  }
0xd7: {  	_ =	swait.ge [sflag:s6], $0x3200  }
0xd8: {  	s7 =	sadd.s32 $0x1, s7;
	s30 =	rddreg [dreg:$0x11]  }
0xd9: {  	p0 =	sne.s32 s7, s30  }
.Ltmp1:
0xda: {  	_ = 	snop;
	(pc) =	sbr.rel @p0 .LBB2_1-.Ltmp1, $3  }
0xdb: {  	_ =	sdelay $0x1  }
0xdc: {  	[sflag:s6] =	ssyncset.done $0x0  }
0xdd: {  	[sflag:s6] =	ssyncadd.s32 $0xFFFFCE00  }
0xde: {  	_ =	sfence.sel $0x180000  }
0xdf: {  	[bflag:$0x0] =	sbarrier.arrive $0xFFFF  }
0xe0: {  	_ =	strace $0x90000047  }
0xe1: {  	s0 =	stileid.u32;
	[bflag:$0x2] =	sbarrier.arrive $0xFFFF  }
0xe2: {  	p0 =	sne.s32 s0, $0x0;
	s0 =	rddreg [dreg:$0x2]  }
0xe3: {  	s0 =	sadd.s32 @!p0 $0x100000, s0  }
0xe4: {  	[sflag:s0] =	ssyncadd.tile.s32 @!p0 $0x1;
	_ =	shalt  }
.Lfunc_end2:
_tile_overlayer_lowered:
.L_overlay_start_2:
0xe5: {  	(tag) =	ssettag $0x2  }
0xe6: {  	s0 =	rddreg [dreg:$0x0];
	s2 =	stileid.u32  }
0xe7: {  	s1 =	rddreg [dreg:$0x1];
	p0 =	sne.s32 s2, $0x0  }
0xe8: {  	s3 =	rddreg [dreg:$0x2];
	[bflag:$0x3] =	sbarrier.arrive $0xFFFF;
	s2 =	simm.s32 @!p0 $0x1C0D  }
0xe9: {  	[timem:s3], [sflag:s2] =	dma.local @!p0 [hbm:s0], s1  }
0xea: {  	s0 =	simm.s32 @!p0 $0xD  }
0xeb: {  	_ =	swait.ge @!p0 [sflag:s0], s1  }
0xec: {  	s1 =	ssub.s32 @!p0 $0x0, s1;
	[sflag:s0] =	ssyncset.done @!p0 $0x0  }
0xed: {  	[sflag:s0] =	ssyncadd.s32 @!p0 s1  }
0xee: {  	[bflag:$0x3] =	sbarrier.arrive $0xFFFF  }
0xef: {  	_ =	shalt  }

// kernel: sparse-core-data-format-call.cloned.1.call-start
scs
called_computation_lowered:
.L_overlay_start_0:
0x0: {  	s2 =	sld [smem:$0x3FD9]  }
0x1: {  	s3 =	sld [smem:$0x3FFE];
	_ =	sdelay $0x1  }
0x2: {  	s1 =	srdreg.scid  }
0x3: {  	s0 =	sand.u32 $0x1, s1  }
0x4: {  	s18 =	sshll.u32 s0, $0xA;
	s2 =	sadd.s32 s3, s2  }
0x5: {  	s2 =	sadd.s32 s2, s18  }
0x6: {  	[smem:$0x3FC6] =	sst s2  }
0x7: {  	_ = 	snop  }
0x8: {  	s2 =	sld [smem:$0x3FD0];
	(tm) =	ssettm $0x1  }
0x9: {  	s19 =	sld [smem:$0x3FFB];
	_ =	sdelay $0x3  }
0xa: {  	_ =	strace s19  }
0xb: {  	s3 =	sld [smem:$0x3FFC];
	_ =	sdelay $0x3  }
0xc: {  	_ =	strace s3  }
0xd: {  	s3 =	sld [smem:$0x3FFD];
	_ =	sdelay $0x3  }
0xe: {  	_ =	strace s3  }
0xf: {  	_ =	strace $0x8FFFFFFF  }
0x10: {  	s20 =	sld [smem:$0x3FDB];
	_ =	sdelay $0x1  }
0x11: {  	s4 =	simm.s32 $_scs_section_size  }
0x12: {  	s5 =	simm.s32 $_size__tile_overlayer_lowered;
	s6 =	simm.s32 $_tile_overlayer_lowered  }
0x13: {  	s23 =	simm.s32 $0x1BFF;
	s22 =	sshll.u32 s6, $0x1;
	s3 =	sadd.s32 s4, s20  }
0x14: {  	s7 =	simm.s32 $0x0;
	s21 =	sshll.u32 s5, $0x1;
	s5 =	sadd.s32 s22, s3  }
0x15: {  	[timem:s7], [sflag:s23] =	dma.local [hbm:s5], s21  }
0x16: {  	_ =	swait.ge [sflag:s23], s21  }
0x17: {  	s4 =	ssub.s32 $0x0, s21;
	[sflag:s23] =	ssyncset.done $0x0  }
0x18: {  	[sflag:s23] =	ssyncadd.s32 s4;
	_ =	sdelay $0x1  }
0x19: {  	s24 =	simm.s32 $0x1B8B  }
0x1a: {  	_ =	swait.ge [sflag:s24], $0x1  }
0x1b: {  	[sflag:s24] =	ssyncset.done $0x0  }
0x1c: {  	s26 =	simm.s32 $0x1B8E;
	s25 =	sld [smem:$0x3FFE];
	[sflag:s24] =	ssyncadd.s32 $0xFFFFFFFF  }
0x1d: {  	s27 =	simm.s32 $execute0_lowered;
	[smem:$0x3FD2] =	sst s26  }
0x1e: {  	s5 =	sshll.u32 s27, $0x1;
	_ =	strace $0x80000049;
	[dreg:$0x1] =	wrdreg $0xFFFFFFFF  }
0x1f: {  	s28 =	simm.s32 $_size_execute0_lowered;
	s3 =	sadd.s32 s3, s5;
	[dreg:$0x0] =	wrdreg $0x0  }
0x20: {  	s5 =	sshll.u32 s28, $0x1;
	[dreg:$0x2] =	wrdreg s3  }
0x21: {  	[dreg:$0x3] =	wrdreg s5  }
0x22: {  	[dreg:$0x4] =	wrdreg $0xC0  }
0x23: {  	_ =	task [dreg:s7], $0x5FFFF  }
0x24: {  	[dreg:$0x1] =	wrdreg $0xFFFFFFFF  }
0x25: {  	[dreg:$0x0] =	wrdreg $0x60  }
0x26: {  	[dreg:$0x2] =	wrdreg s25  }
0x27: {  	[dreg:$0x3] =	wrdreg s2  }
0x28: {  	[dreg:$0x4] =	wrdreg $0x9  }
0x29: {  	_ =	task.clear_ibuf [dreg:s7], $0x5FFFF;
	_ =	strace $0x90000049  }
0x2a: {  	s29 =	simm.s32 $0x9;
	_ =	strace $0x8000004B  }
0x2b: {  	_ =	swait.ge [sflag:s29], $0x1  }
0x2c: {  	[sflag:s29] =	ssyncadd.s32 $0xFFFFFFFF  }
0x2d: {  	_ =	strace $0x9000004B  }
0x2e: {  	_ =	sfence  }
0x2f: {  	s30 =	sld [smem:$0x0];
	_ =	sdelay $0x2  }
0x30: {  	s31 =	sshll.u32 s1, $0xD;
	s1 =	sshrl.u32 s1, $0x2  }
0x31: {  	s3 =	sand.u32 $0x4000, s31;
	s1 =	sadd.s32 s1, s30  }
0x32: {  	s0 =	sor.u32 s3, s0;
	s1 =	sshll.u32 s1, $0x11  }
0x33: {  	s0 =	sor.u32 s1, s0  }
0x34: {  	s0 =	sadd.s32 $0x8F2B, s0  }
0x35: {  	[sflag:s0] =	ssyncadd.remote.s32 $0x1  }
0x36: {  	_ =	sfence.sel $0xFFFF  }
0x37: {  	[dreg:$0x0] =	wrdreg $0xFFFFFFFF;
	(pc) =	sbr.abs _section_cstart, $3  }
0x38: {  	[dreg:$0x1] =	wrdreg $0xFFFFFFFF  }
0x39: {  	_ =	task.clear_ibuf [dreg:s7], $0x2FFFF;
	_ =	strace $0x9FFFFFFF  }
0x3a: {  	(tm) =	ssettm $0x7FFFFFFF  }
0x3b: {  	_ =	shalt  }
tec
execute0_lowered:
.L_overlay_start_1:
0x0: {  	(tag) =	ssettag $0x1  }
0x1: {  	s0 =	srdreg.scid  }
0x2: {  	s1 =	sshll.u32 s0, $0x4  }
0x3: {  	s0 =	stileid.u32;
	s1 =	sand.u32 $0x10, s1  }
0x4: {  	s1 =	sor.u32 s0, s1  }
0x5: {  	s6 =	rddreg [dreg:$0x0];
	s4 =	simm.s32 $0x1;
	s2 =	sshll.u32 s1, $0x7  }
0x6: {  	s7 =	simm.s32 $0x2;
	s12 =	simm.s32 $0x0;
	s1 =	ssub.s32 $0x1000, s2  }
0x7: {  	s8 =	simm.s32 $0x8000;
	s13 =	simm.s32 $0x0;
	s3 =	sand.u32 $0xF80, s1  }
0x8: {  	s9 =	simm.s32 $0x0;
	s5 =	sshrl.u32 s1, $0xC;
	p0 =	sne.s32 s3, $0x0  }
.Ltmp0:
0x9: {  	s1 =	rddreg [dreg:$0x2];
	s4 =	simm.s32 @!p0 $0x0;
	(pc) =	sbr.rel .LBB1_1-.Ltmp0, $4  }
0xa: {  	s11 =	simm.s32 $0x0;
	s3 =	rddreg [dreg:$0x1];
	s5 =	sadd.s32 s4, s5  }
0xb: {  	_ =	strace $0x8000004A;
	s4 =	simm.s32 $0x1;
	s5 =	smul.u32 $0xC8, s5  }
0xc: {  	s6 =	sadd.s32 $0xA00, s6;
	s10 =	smov.u32 s2;
	[sflag:s4] =	ssyncpa.u1 $0x0  }
0xd: {  	p0 =	por $0x0, $0x0;
	[sflag:s7] =	ssyncpa.u1 $0x0;
	s7 =	sor.u32 $0x1, s5  }
.LBB1_4:
0xe: {  	s16 =	sshll.u32 s13, $0x3;
	s17 =	sand.u32 $0x78, s13  }
0xf: {  	s30 =	sand.u32 $0x7E00, s13;
	s12 =	sshll.u32 s12, $0xF;
	s16 =	sand.u32 $0xC00, s16  }
0x10: {  	[tilespmem:s15+$0x810 ss:$0x81] =	vst.msk $0xffff, v2;
	s31 =	sand.u32 $0x7, s13;
	s16 =	sor.u32 s17, s16;
	s17 =	sadd.s32 s3, s30  }
0x11: {  	[tilespmem:s15+$0x1020 ss:$0x81] =	vst.msk $0xffff, v0;
	s13 =	sshll.u32 s31, $0x12;
	s12 =	sadd.s32 s12, s17;
	s16 =	sshrl.u32 s16, $0x3  }
0x12: {  	[tilespmem:s15+$0x0 ss:$0x81] =	vst.msk $0xffff, v1;
	s13 =	sor.u32 $0x400, s13;
	s12 =	sadd.s32 s16, s12  }
0x13: {  	[hbm4b:s12+s13] =	stream.strided.scatter [tilespmem:s14], [sflag:$0x2], $0x2000, s8, s13, $0x20;
	[tilespmem:$0x8080] =	vst v63  }
.LBB1_5:
0x14: {  	s14 =	sadd.s32 $0x1, s9  }
0x15: {  	s12 =	sadd.s32 $0x1000, s10;
	s16 =	smov.u32 s10;
	p2 =	sgt.s32 s14, $0xC7  }
0x16: {  	s16 =	smov.u32 @p2 s12  }
0x17: {  	s14 =	simm.s32 @p2 $0x0;
	p2 =	sgt.s32 s16, $0xFFF  }
0x18: {  	s16 =	smov.u32 @p2 s2;
	p2 =	sne.s32 s11, s7  }
.Ltmp1:
0x19: {  	p1 =	slt.u32 s11, $0x2;
	(pc) =	sbr.rel @!p2 .LBB1_6-.Ltmp1, $4  }
0x1a: {  	s15 =	simm.s32 @!p1 $0x2  }
0x1b: {  	s13 =	smov.u32 s10;
	p0 =	por !p0, !p0;
	_ =	swait.ge @!p1 [sflag:s15], $0x2000  }
0x1c: {  	s12 =	smov.u32 s9;
	[sflag:s15] =	ssyncset.done @!p1 $0x0;
	s9 =	smov.u32 s14  }
0x1d: {  	s11 =	sadd.s32 $0x1, s11;
	[sflag:s15] =	ssyncadd.s32 @!p1 $0xFFFFE000;
	s10 =	smov.u32 s16  }
.LBB1_1:
0x1e: {  	p1 =	sge.u32 s11, s5  }
0x1f: {  	s14 =	sand.u32 @!p1 $0x1FFFFFF, s9  }
0x20: {  	s15 =	smulhi.u32 @!p1 $0x147AE15, s14;
	_ =	sdelay $0x1  }
0x21: {  	s15 =	smul.u32 @!p1 $0xC8, s15  }
0x22: {  	s16 =	sxor.u32 @!p1 $0xFFFFFFFF, s11;
	s17 =	smul.u32 @!p1 $0xC80, s10  }
0x23: {  	s31 =	sadd.s32 $0xFFFFFFFF, s11;
	s16 =	sshll.u32 @!p1 s16, $0xD;
	s14 =	ssub.s32 @!p1 s14, s15  }
0x24: {  	s15 =	sand.u32 @!p1 $0x2000, s16;
	s16 =	sadd.s32 @!p1 s6, s17;
	s14 =	sshll.u32 @!p1 s14, $0x4  }
0x25: {  	s17 =	simm.s32 @!p1 $0x6400;
	s14 =	sadd.s32 @!p1 s14, s16;
	s16 =	simm.s32 @!p1 $0x40  }
0x26: {  	[tilespmem:s15], [sflag:$0x1] =	stream.strided.gather @!p1 [hbm4b:s14+s16], $0x2000, s17, s16, $0x38;
	[tilespmem:$0x8080] =	vst v63  }
0x27: {  	p1 =	sge.u32 s31, s5  }
.Ltmp2:
0x28: {  	_ = 	snop;
	(pc) =	sbr.rel @p1 .LBB1_5-.Ltmp2, $1  }
0x29: {  	_ =	sdelay $0x3  }
0x2a: {  	s14 =	simm.s32 $0x1  }
0x2b: {  	_ =	swait.ge [sflag:s4], $0x2000;
	s14 =	simm.s32 @!p0 $0x0  }
0x2c: {  	[sflag:s4] =	ssyncset.done $0x0;
	s15 =	sshll.u32 s14, $0xD  }
0x2d: {  	[sflag:s4] =	ssyncadd.s32 $0xFFFFE000;
	s18 =	sor.u32 $0x20, s15  }
0x2e: {  	s14 =	smul.u32 $0x8100, s14;
	v3 =	vld [tilespmem:s18+$0x10]  }
0x2f: {  	s30 =	sand.u32 $0x1, s11;
	v2 =	vld [tilespmem:s18+$0xFFFFFFF0]  }
0x30: {  	s15 =	smul.u32 $0x8100, s30;
	s14 =	sshrl.u32 s14, $0x2;
	v0 =	vld [tilespmem:s18+$0x0]  }
0x31: {  	v1 =	vld [tilespmem:s18+$0xFFFFFFE0];
	s16 =	sor.u32 $0x4000, s14  }
0x32: {  	s31 =	sshrl.u32 s15, $0x2;
	s15 =	sadd.s32 $0x0, s16  }
0x33: {  	s17 =	simm.s32 $0x4;
	s18 =	sadd.s32 $0x40, s18;
	s14 =	sor.u32 $0x4000, s31;
	[tilespmem:s15+$0x1830 ss:$0x81] =	vst.msk $0xffff, v3  }
.LBB1_3:
0x34: {  	v3 =	vld [tilespmem:s18+$0x10];
	p1 =	sne.s32 s17, $0x1FC;
	[tilespmem:s15+$0x810 ss:$0x81] =	vst.msk $0xffff, v2;
	s19 =	smov.u32 s17;
	s17 =	sadd.s32 $0x4, s17  }
.Ltmp3:
0x35: {  	v2 =	vld [tilespmem:s18+$0xFFFFFFF0];
	[tilespmem:s15+$0x1020 ss:$0x81] =	vst.msk $0xffff, v0;
	(pc) =	sbr.rel @p1 .LBB1_3-.Ltmp3, $4  }
0x36: {  	v0 =	vld [tilespmem:s18+$0x0];
	[tilespmem:s15+$0x0 ss:$0x81] =	vst.msk $0xffff, v1  }
0x37: {  	s15 =	sshra.s32 s19, $0x2;
	v1 =	vld [tilespmem:s18+$0xFFFFFFE0]  }
0x38: {  	s15 =	sadd.s32 s15, s16  }
0x39: {  	s18 =	sadd.s32 $0x40, s18;
	[tilespmem:s15+$0x1830 ss:$0x81] =	vst.msk $0xffff, v3  }
.Ltmp4:
0x3a: {  	_ = 	snop;
	(pc) =	sbr.rel .LBB1_4-.Ltmp4, $1  }
0x3b: {  	_ =	sdelay $0x3  }
.LBB1_6:
0x3c: {  	_ =	sfence.sel $0x180000  }
0x3d: {  	s2 =	simm.s32 $0x1;
	[bflag:$0x0] =	sbarrier.arrive $0xFFFF  }
0x3e: {  	s31 =	simm.s32 $0x2;
	[sflag:s2] =	ssyncpa.u1 $0x1  }
0x3f: {  	[sflag:s31] =	ssyncpa.u1 $0x1  }
0x40: {  	p0 =	sne.s32 s0, $0x0;
	_ =	strace $0x9000004A  }
0x41: {  	s0 =	sadd.s32 @!p0 $0x100000, s1;
	[bflag:$0x2] =	sbarrier.arrive $0xFFFF  }
0x42: {  	[sflag:s0] =	ssyncadd.tile.s32 @!p0 $0x1;
	_ =	shalt  }
.Lfunc_end1:
_tile_overlayer_lowered:
.L_overlay_start_2:
0x43: {  	(tag) =	ssettag $0x2  }
0x44: {  	s0 =	rddreg [dreg:$0x0];
	s2 =	stileid.u32  }
0x45: {  	s1 =	rddreg [dreg:$0x1];
	p0 =	sne.s32 s2, $0x0  }
0x46: {  	s3 =	rddreg [dreg:$0x2];
	[bflag:$0x3] =	sbarrier.arrive $0xFFFF;
	s2 =	simm.s32 @!p0 $0x1C01  }
0x47: {  	[timem:s3], [sflag:s2] =	dma.local @!p0 [hbm:s0], s1  }
0x48: {  	s0 =	simm.s32 @!p0 $0x1  }
0x49: {  	_ =	swait.ge @!p0 [sflag:s0], s1  }
0x4a: {  	s1 =	ssub.s32 @!p0 $0x0, s1;
	[sflag:s0] =	ssyncset.done @!p0 $0x0  }
0x4b: {  	[sflag:s0] =	ssyncadd.s32 @!p0 s1  }
0x4c: {  	[bflag:$0x3] =	sbarrier.arrive $0xFFFF  }
0x4d: {  	_ =	shalt  }

</sc_bundles>
